<compile_context>
chip_gen: v7x
topology: tpu7x:2x2x1
jax: 0.10.2.dev20260603
libtpu: 0.0.44.dev20260713+nightly
codegen_flags: <defaults>
</compile_context>

<pallas_src>
import functools

import jax
import jax.numpy as jnp
from jax import lax
from jax.experimental import pallas as pl
from jax.experimental.pallas import tpu as pltpu
from jax.experimental.pallas import tpu_sc as plsc

N = 10000
E = 320000
D = 128

NC = 2
NS = 16
NW = NC * NS
CHUNK = 128
CPT = 80
EP = NW * CPT * CHUNK
NPAD = NW * 320
RPT = NPAD // NS
IGRP = 16
NIG = CPT // IGRP
NGRPS = NW * NIG

_mesh = plsc.VectorSubcoreMesh(
    core_axis_name="c", subcore_axis_name="s", num_cores=NC, num_subcores=NS)



@functools.partial(
    pl.kernel,
    out_type=jax.ShapeDtypeStruct((NC, NPAD, 16), jnp.float32),
    mesh=_mesh,
    scratch_types=[
        pltpu.VMEM((CPT, CHUNK), jnp.int32),
        pltpu.VMEM((CHUNK, 16), jnp.float32),
        pltpu.VMEM_SHARED((NPAD, 16), jnp.float32),
    ],
)
def _sc_degree(dst_hbm, z16_hbm, ones_hbm, degp_hbm, dst_v, obuf, dacc):
    c = lax.axis_index("c")
    s = lax.axis_index("s")
    wid = s * NC + c
    pltpu.sync_copy(dst_hbm.at[wid], dst_v)
    pltpu.sync_copy(ones_hbm, obuf)
    pltpu.sync_copy(z16_hbm, dacc.at[pl.ds(s * RPT, RPT)])
    plsc.subcore_barrier()

    def body(j, carry):
        pltpu.sync_copy(obuf, dacc.at[dst_v.at[j]], add=True)
        return carry

    lax.fori_loop(0, CPT, body, 0)
    plsc.subcore_barrier()
    pltpu.sync_copy(dacc.at[pl.ds(s * RPT, RPT)],
                    degp_hbm.at[c, pl.ds(s * RPT, RPT)])


@functools.partial(
    pl.kernel,
    out_type=jax.ShapeDtypeStruct((NC, NPAD, D), jnp.float32),
    mesh=_mesh,
    scratch_types=[
        pltpu.VMEM((IGRP, CHUNK), jnp.int32),
        pltpu.VMEM((IGRP, CHUNK), jnp.int32),
        pltpu.VMEM((CHUNK, D), jnp.float32),
        pltpu.VMEM((CHUNK, D), jnp.float32),
        pltpu.VMEM_SHARED((NPAD, D), jnp.float32),
        pltpu.SemaphoreType.DMA,
        pltpu.SemaphoreType.DMA,
    ],
)
def _sc_aggregate(g_hbm, src_hbm, dst_hbm, zrows_hbm, sp_hbm,
                  src_v, dst_v, buf0, buf1, acc, sem0, sem1):
    c = lax.axis_index("c")
    s = lax.axis_index("s")
    wid = s * NC + c
    pltpu.sync_copy(zrows_hbm, acc.at[pl.ds(s * RPT, RPT)])
    plsc.subcore_barrier()

    def outer(gi, carry):
        row = wid * NIG + gi
        pltpu.sync_copy(src_hbm.at[row], src_v)
        pltpu.sync_copy(dst_hbm.at[row], dst_v)

        def body(j, carry2):
            pltpu.async_copy(g_hbm.at[src_v.at[j]], buf0, sem0).wait()
            pltpu.sync_copy(buf0, acc.at[dst_v.at[j]], add=True)
            return carry2

        lax.fori_loop(0, IGRP, body, 0)
        return carry

    lax.fori_loop(0, NIG, outer, 0)
    plsc.subcore_barrier()
    pltpu.sync_copy(acc.at[pl.ds(s * RPT, RPT)],
                    sp_hbm.at[c, pl.ds(s * RPT, RPT)])



def _dinv_col(degp):
    deg = degp[0, :N, 0:1] + degp[1, :N, 0:1] + 1.0
    return lax.rsqrt(deg)


def _tc_scale_matmul_body(degp_ref, x_ref, w_ref, g_ref):
    dinv = _dinv_col(degp_ref[...])
    u = x_ref[...] * dinv
    g_ref[...] = jnp.dot(u, w_ref[...], preferred_element_type=jnp.float32)


_tc_scale_matmul = pl.pallas_call(
    _tc_scale_matmul_body,
    out_shape=jax.ShapeDtypeStruct((N, D), jnp.float32),
)


def _tc_mid_body(degp_ref, sp_ref, g_ref, b_ref, w_ref, g2_ref):
    dinv = _dinv_col(degp_ref[...])
    sp = sp_ref[...]
    h = dinv * (sp[0, :N] + sp[1, :N] + g_ref[...]) + b_ref[...]
    u2 = dinv * jnp.maximum(h, 0.0)
    g2_ref[...] = jnp.dot(u2, w_ref[...], preferred_element_type=jnp.float32)


_tc_mid = pl.pallas_call(
    _tc_mid_body,
    out_shape=jax.ShapeDtypeStruct((N, D), jnp.float32),
)


def _tc_final_body(degp_ref, sp_ref, g_ref, b_ref, out_ref):
    dinv = _dinv_col(degp_ref[...])
    sp = sp_ref[...]
    out_ref[...] = dinv * (sp[0, :N] + sp[1, :N] + g_ref[...]) + b_ref[...]


_tc_final = pl.pallas_call(
    _tc_final_body,
    out_shape=jax.ShapeDtypeStruct((N, D), jnp.float32),
)



def kernel(x, edge_index, W1, b1, W2, b2):
    ei = edge_index.astype(jnp.int32)
    pad = EP - E
    src = jnp.concatenate([ei[0], jnp.zeros((pad,), jnp.int32)])
    dst = jnp.concatenate([ei[1], jnp.full((pad,), N, jnp.int32)])
    srcg = src.reshape(NGRPS, IGRP, CHUNK)
    dstg = dst.reshape(NGRPS, IGRP, CHUNK)
    dst = dst.reshape(NW, CPT, CHUNK)

    zrows = jnp.zeros((RPT, D), jnp.float32)
    z16 = jnp.zeros((RPT, 16), jnp.float32)
    ones16 = jnp.ones((CHUNK, 16), jnp.float32)

    degp = _sc_degree(dst, z16, ones16)

    g1 = _tc_scale_matmul(degp, x, W1)
    s1p = _sc_aggregate(g1, srcg, dstg, zrows)
    g2 = _tc_mid(degp, s1p, g1, b1, W2)
    s2p = _sc_aggregate(g2, srcg, dstg, zrows)
    return _tc_final(degp, s2p, g2, b2)

# --- scband reference (transcript-rebuilt; emitter-appended) ---
"""Pipeline reference for scband-simple-gcn-61847529062690 (READ-ONLY COPY).

The authoritative reference and input builder live on the scoring server;
editing this copy changes nothing except your own understanding.
"""

import jax, jax.numpy as jnp
import numpy as np

N_NODES = 10000
N_EDGES = 320000
D_IN = 128
D_HID = 128
D_OUT = 128


def setup_inputs(seed: int = 0) -> dict:
    key = jax.random.key(seed)
    k1, k2, k3, k4, k5, k6 = jax.random.split(key, 6)
    x = jax.random.normal(k1, (N_NODES, D_IN), dtype=jnp.float32)
    edge_index = jax.random.randint(k2, (2, N_EDGES), 0, N_NODES, dtype=jnp.int64)
    # GCNConv weights (glorot-ish scaling), stored as (in, out) so h = x @ W
    W1 = jax.random.normal(k3, (D_IN, D_HID), dtype=jnp.float32) * (1.0 / np.sqrt(D_IN))
    b1 = jnp.zeros((D_HID,), dtype=jnp.float32)
    W2 = jax.random.normal(k4, (D_HID, D_OUT), dtype=jnp.float32) * (1.0 / np.sqrt(D_HID))
    b2 = jnp.zeros((D_OUT,), dtype=jnp.float32)
    return {"x": x, "edge_index": edge_index, "W1": W1, "b1": b1, "W2": W2, "b2": b2}


def _gcn_conv(x, src, dst, W, b, num_nodes):
    # PyG GCNConv with add_self_loops=True, normalize=True:
    # out = D^{-1/2} (A + I) D^{-1/2} (x @ W) + b
    loop = jnp.arange(num_nodes, dtype=src.dtype)
    s = jnp.concatenate([src, loop])
    d = jnp.concatenate([dst, loop])
    ones = jnp.ones(d.shape[0], dtype=x.dtype)
    deg = jnp.zeros((num_nodes,), dtype=x.dtype).at[d].add(ones)
    deg_inv_sqrt = jnp.where(deg > 0, 1.0 / jnp.sqrt(deg), 0.0)
    norm = deg_inv_sqrt[s] * deg_inv_sqrt[d]
    h = x @ W
    msg = h[s] * norm[:, None]
    out = jnp.zeros((num_nodes, W.shape[1]), dtype=x.dtype).at[d].add(msg)
    return out + b


def reference(x, edge_index, W1, b1, W2, b2):
    src = edge_index[0]
    dst = edge_index[1]
    h = _gcn_conv(x, src, dst, W1, b1, N_NODES)
    h = jax.nn.relu(h)
    out = _gcn_conv(h, src, dst, W2, b2, N_NODES)
    return out

if __name__ == "__main__":
    import jax
    _d = setup_inputs()
    print(jax.jit(kernel)(*tuple(_d.values())))

</pallas_src>

<mosaic_0001>
#map = affine_map<(d0, d1) -> (0, 0, 0)>
#map1 = affine_map<(d0, d1) -> (0, 0)>
module attributes {stable_mosaic.version = 14 : i64} {
  func.func @_sc_degree(%arg0: i32, %arg1: i32, %arg2: memref<32x80x128xi32, #tpu.memory_space<hbm>>, %arg3: memref<640x16xf32, #tpu.memory_space<hbm>>, %arg4: memref<128x16xf32, #tpu.memory_space<hbm>>, %arg5: memref<2x10240x16xf32, #tpu.memory_space<hbm>>, %arg6: memref<80x128xi32, #tpu.memory_space<vmem>>, %arg7: memref<128x16xf32, #tpu.memory_space<vmem>>, %arg8: memref<10240x16xf32, #tpu.memory_space<vmem_shared>>) attributes {dimension_semantics = [#tpu.dimension_semantics<core_parallel>, #tpu.dimension_semantics<subcore_parallel>], iteration_bounds = array<i64: 2, 16>, scalar_prefetch = 0 : i64, scratch_operands = 3 : i64, tpu.core_type = #tpu.core_type<sc_vector_subcore>, window_params = [{transform_indices = #map}, {transform_indices = #map1}, {transform_indices = #map1}, {transform_indices = #map}]} {
    %mul3A = arith.constant 2 : i32
    %mul3A_0 = arith.muli %arg1, %mul3A : i32
    %add3A = arith.addi %mul3A_0, %arg0 : i32
    "tpu.region"() ({
      %run_scoped3A = tpu.sem_alloc : memref<!tpu.dma_semaphore, #tpu.memory_space<semaphore_mem>>
      %dma_start3A = arith.constant 0 : i32
      %dma_start3A_13 = arith.constant 0 : i32
      %dma_start3A_14 = tpu.memref_slice %arg2[%add3A, %dma_start3A, %dma_start3A_13] : memref<32x80x128xi32, #tpu.memory_space<hbm>> -> memref<1x80x128xi32, #tpu.memory_space<hbm>>
      %dma_start3A_15 = tpu.memref_squeeze %dma_start3A_14 : memref<1x80x128xi32, #tpu.memory_space<hbm>> -> memref<80x128xi32, #tpu.memory_space<hbm>>
      %dma_start3A_16 = arith.constant 0 : i32
      %dma_start3A_17 = arith.constant 0 : i32
      %dma_start3A_18 = tpu.memref_slice %arg2[%add3A, %dma_start3A_16, %dma_start3A_17] : memref<32x80x128xi32, #tpu.memory_space<hbm>> -> memref<1x80x128xi32, #tpu.memory_space<hbm>>
      %dma_start3A_19 = tpu.memref_squeeze %dma_start3A_18 : memref<1x80x128xi32, #tpu.memory_space<hbm>> -> memref<80x128xi32, #tpu.memory_space<hbm>>
      tpu.enqueue_dma source(%dma_start3A_19 : memref<80x128xi32, #tpu.memory_space<hbm>>) target(%arg6 : memref<80x128xi32, #tpu.memory_space<vmem>>) target_semaphore(%run_scoped3A : memref<!tpu.dma_semaphore, #tpu.memory_space<semaphore_mem>>)
      %dma_wait3A = arith.constant 0 : i32
      %dma_wait3A_20 = arith.constant 0 : i32
      %dma_wait3A_21 = tpu.memref_slice %arg2[%add3A, %dma_wait3A, %dma_wait3A_20] : memref<32x80x128xi32, #tpu.memory_space<hbm>> -> memref<1x80x128xi32, #tpu.memory_space<hbm>>
      %dma_wait3A_22 = tpu.memref_squeeze %dma_wait3A_21 : memref<1x80x128xi32, #tpu.memory_space<hbm>> -> memref<80x128xi32, #tpu.memory_space<hbm>>
      %dma_wait3A_23 = arith.constant 0 : i32
      %dma_wait3A_24 = arith.constant 0 : i32
      %dma_wait3A_25 = tpu.memref_slice %arg2[%add3A, %dma_wait3A_23, %dma_wait3A_24] : memref<32x80x128xi32, #tpu.memory_space<hbm>> -> memref<1x80x128xi32, #tpu.memory_space<hbm>>
      %dma_wait3A_26 = tpu.memref_squeeze %dma_wait3A_25 : memref<1x80x128xi32, #tpu.memory_space<hbm>> -> memref<80x128xi32, #tpu.memory_space<hbm>>
      tpu.wait_dma2 semaphore(%run_scoped3A : memref<!tpu.dma_semaphore, #tpu.memory_space<semaphore_mem>>) src(%dma_wait3A_26 : memref<80x128xi32, #tpu.memory_space<hbm>>) dst(%arg6 : memref<80x128xi32, #tpu.memory_space<vmem>>)
      tpu.yield
    }) : () -> ()
    "tpu.region"() ({
      %run_scoped3A = tpu.sem_alloc : memref<!tpu.dma_semaphore, #tpu.memory_space<semaphore_mem>>
      tpu.enqueue_dma source(%arg4 : memref<128x16xf32, #tpu.memory_space<hbm>>) target(%arg7 : memref<128x16xf32, #tpu.memory_space<vmem>>) target_semaphore(%run_scoped3A : memref<!tpu.dma_semaphore, #tpu.memory_space<semaphore_mem>>)
      tpu.wait_dma2 semaphore(%run_scoped3A : memref<!tpu.dma_semaphore, #tpu.memory_space<semaphore_mem>>) src(%arg4 : memref<128x16xf32, #tpu.memory_space<hbm>>) dst(%arg7 : memref<128x16xf32, #tpu.memory_space<vmem>>)
      tpu.yield
    }) : () -> ()
    %mul3A_1 = arith.constant 640 : i32
    %mul3A_2 = arith.muli %arg1, %mul3A_1 : i32
    "tpu.region"() ({
      %run_scoped3A = tpu.sem_alloc : memref<!tpu.dma_semaphore, #tpu.memory_space<semaphore_mem>>
      %dma_start3A = arith.constant 0 : i32
      %dma_start3A_13 = tpu.memref_slice %arg8[%mul3A_2, %dma_start3A] : memref<10240x16xf32, #tpu.memory_space<vmem_shared>> -> memref<640x16xf32, #tpu.memory_space<vmem_shared>>
      tpu.enqueue_dma source(%arg3 : memref<640x16xf32, #tpu.memory_space<hbm>>) target(%dma_start3A_13 : memref<640x16xf32, #tpu.memory_space<vmem_shared>>) target_semaphore(%run_scoped3A : memref<!tpu.dma_semaphore, #tpu.memory_space<semaphore_mem>>)
      %dma_wait3A = arith.constant 0 : i32
      %dma_wait3A_14 = tpu.memref_slice %arg8[%mul3A_2, %dma_wait3A] : memref<10240x16xf32, #tpu.memory_space<vmem_shared>> -> memref<640x16xf32, #tpu.memory_space<vmem_shared>>
      tpu.wait_dma2 semaphore(%run_scoped3A : memref<!tpu.dma_semaphore, #tpu.memory_space<semaphore_mem>>) src(%arg3 : memref<640x16xf32, #tpu.memory_space<hbm>>) dst(%dma_wait3A_14 : memref<640x16xf32, #tpu.memory_space<vmem_shared>>)
      tpu.yield
    }) : () -> ()
    %barrier3A = arith.constant 0 : index
    tpu.barrier barrier_id(%barrier3A)
    %scan3A = arith.constant 0 : i32
    %scan3A_3 = arith.constant 0 : i32
    %scan3A_4 = arith.constant 80 : i32
    %scan3A_5 = arith.addi %scan3A_3, %scan3A_4 : i32
    %scan3A_6 = arith.constant 1 : i32
    scf.for %scan3A_13 = %scan3A_3 to %scan3A_5 step %scan3A_6  : i32 {
      "tpu.region"() ({
        %run_scoped3A = tpu.sem_alloc : memref<!tpu.dma_semaphore, #tpu.memory_space<semaphore_mem>>
        %dma_start3A = arith.constant 0 : i32
        %dma_start3A_14 = tpu.memref_slice %arg6[%scan3A_13, %dma_start3A] : memref<80x128xi32, #tpu.memory_space<vmem>> -> memref<1x128xi32, #tpu.memory_space<vmem>>
        %dma_start3A_15 = tpu.memref_squeeze %dma_start3A_14 : memref<1x128xi32, #tpu.memory_space<vmem>> -> memref<128xi32, #tpu.memory_space<vmem>>
        %dma_start3A_16 = arith.constant 0 : i32
        %dma_start3A_17 = arith.constant 0 : i32
        %dma_start3A_18 = tpu.memref_slice %arg8[%dma_start3A_16, %dma_start3A_17] : memref<10240x16xf32, #tpu.memory_space<vmem_shared>> -> memref<10240x16xf32, #tpu.memory_space<vmem_shared>>
        tpu.enqueue_indirect_dma source(%arg7 : memref<128x16xf32, #tpu.memory_space<vmem>>) target(%dma_start3A_18 : memref<10240x16xf32, #tpu.memory_space<vmem_shared>>) offsets(%dma_start3A_15 : memref<128xi32, #tpu.memory_space<vmem>>) semaphore(%run_scoped3A : memref<!tpu.dma_semaphore, #tpu.memory_space<semaphore_mem>>) {add = true}
        %dma_wait3A = arith.constant 0 : i32
        %dma_wait3A_19 = tpu.memref_slice %arg6[%scan3A_13, %dma_wait3A] : memref<80x128xi32, #tpu.memory_space<vmem>> -> memref<1x128xi32, #tpu.memory_space<vmem>>
        %dma_wait3A_20 = tpu.memref_squeeze %dma_wait3A_19 : memref<1x128xi32, #tpu.memory_space<vmem>> -> memref<128xi32, #tpu.memory_space<vmem>>
        %dma_wait3A_21 = arith.constant 0 : i32
        %dma_wait3A_22 = arith.constant 0 : i32
        %dma_wait3A_23 = tpu.memref_slice %arg8[%dma_wait3A_21, %dma_wait3A_22] : memref<10240x16xf32, #tpu.memory_space<vmem_shared>> -> memref<10240x16xf32, #tpu.memory_space<vmem_shared>>
        tpu.wait_indirect_dma semaphore(%run_scoped3A : memref<!tpu.dma_semaphore, #tpu.memory_space<semaphore_mem>>) src(%arg7 : memref<128x16xf32, #tpu.memory_space<vmem>>) dst(%dma_wait3A_23 : memref<10240x16xf32, #tpu.memory_space<vmem_shared>>)
        tpu.yield
      }) : () -> ()
    }
    %scan3A_7 = arith.constant 80 : i32
    %barrier3A_8 = arith.constant 0 : index
    tpu.barrier barrier_id(%barrier3A_8)
    %mul3A_9 = arith.constant 640 : i32
    %mul3A_10 = arith.muli %arg1, %mul3A_9 : i32
    %mul3A_11 = arith.constant 640 : i32
    %mul3A_12 = arith.muli %arg1, %mul3A_11 : i32
    "tpu.region"() ({
      %run_scoped3A = tpu.sem_alloc : memref<!tpu.dma_semaphore, #tpu.memory_space<semaphore_mem>>
      %dma_start3A = arith.constant 0 : i32
      %dma_start3A_13 = tpu.memref_slice %arg5[%arg0, %mul3A_12, %dma_start3A] : memref<2x10240x16xf32, #tpu.memory_space<hbm>> -> memref<1x640x16xf32, #tpu.memory_space<hbm>>
      %dma_start3A_14 = tpu.memref_squeeze %dma_start3A_13 : memref<1x640x16xf32, #tpu.memory_space<hbm>> -> memref<640x16xf32, #tpu.memory_space<hbm>>
      %dma_start3A_15 = arith.constant 0 : i32
      %dma_start3A_16 = tpu.memref_slice %arg8[%mul3A_10, %dma_start3A_15] : memref<10240x16xf32, #tpu.memory_space<vmem_shared>> -> memref<640x16xf32, #tpu.memory_space<vmem_shared>>
      tpu.enqueue_dma source(%dma_start3A_16 : memref<640x16xf32, #tpu.memory_space<vmem_shared>>) target(%dma_start3A_14 : memref<640x16xf32, #tpu.memory_space<hbm>>) target_semaphore(%run_scoped3A : memref<!tpu.dma_semaphore, #tpu.memory_space<semaphore_mem>>)
      %dma_wait3A = arith.constant 0 : i32
      %dma_wait3A_17 = tpu.memref_slice %arg5[%arg0, %mul3A_12, %dma_wait3A] : memref<2x10240x16xf32, #tpu.memory_space<hbm>> -> memref<1x640x16xf32, #tpu.memory_space<hbm>>
      %dma_wait3A_18 = tpu.memref_squeeze %dma_wait3A_17 : memref<1x640x16xf32, #tpu.memory_space<hbm>> -> memref<640x16xf32, #tpu.memory_space<hbm>>
      %dma_wait3A_19 = arith.constant 0 : i32
      %dma_wait3A_20 = tpu.memref_slice %arg8[%mul3A_10, %dma_wait3A_19] : memref<10240x16xf32, #tpu.memory_space<vmem_shared>> -> memref<640x16xf32, #tpu.memory_space<vmem_shared>>
      tpu.wait_dma2 semaphore(%run_scoped3A : memref<!tpu.dma_semaphore, #tpu.memory_space<semaphore_mem>>) src(%dma_wait3A_20 : memref<640x16xf32, #tpu.memory_space<vmem_shared>>) dst(%dma_wait3A_18 : memref<640x16xf32, #tpu.memory_space<hbm>>)
      tpu.yield
    }) : () -> ()
    return
  }
}

#map = affine_map<(d0, d1) -> (0, 0)>
#map1 = affine_map<(d0, d1) -> (0, 0, 0)>
module attributes {stable_mosaic.version = 14 : i64} {
  func.func @_sc_aggregate(%arg0: i32, %arg1: i32, %arg2: memref<10000x128xf32, #tpu.memory_space<hbm>>, %arg3: memref<160x16x128xi32, #tpu.memory_space<hbm>>, %arg4: memref<160x16x128xi32, #tpu.memory_space<hbm>>, %arg5: memref<640x128xf32, #tpu.memory_space<hbm>>, %arg6: memref<2x10240x128xf32, #tpu.memory_space<hbm>>, %arg7: memref<16x128xi32, #tpu.memory_space<vmem>>, %arg8: memref<16x128xi32, #tpu.memory_space<vmem>>, %arg9: memref<128x128xf32, #tpu.memory_space<vmem>>, %arg10: memref<128x128xf32, #tpu.memory_space<vmem>>, %arg11: memref<10240x128xf32, #tpu.memory_space<vmem_shared>>, %arg12: memref<!tpu.dma_semaphore, #tpu.memory_space<semaphore_mem>>, %arg13: memref<!tpu.dma_semaphore, #tpu.memory_space<semaphore_mem>>) attributes {dimension_semantics = [#tpu.dimension_semantics<core_parallel>, #tpu.dimension_semantics<subcore_parallel>], iteration_bounds = array<i64: 2, 16>, scalar_prefetch = 0 : i64, scratch_operands = 7 : i64, tpu.core_type = #tpu.core_type<sc_vector_subcore>, window_params = [{transform_indices = #map}, {transform_indices = #map1}, {transform_indices = #map1}, {transform_indices = #map}, {transform_indices = #map1}]} {
    %mul3A = arith.constant 2 : i32
    %mul3A_0 = arith.muli %arg1, %mul3A : i32
    %add3A = arith.addi %mul3A_0, %arg0 : i32
    %mul3A_1 = arith.constant 640 : i32
    %mul3A_2 = arith.muli %arg1, %mul3A_1 : i32
    "tpu.region"() ({
      %run_scoped3A = tpu.sem_alloc : memref<!tpu.dma_semaphore, #tpu.memory_space<semaphore_mem>>
      %dma_start3A = arith.constant 0 : i32
      %dma_start3A_13 = tpu.memref_slice %arg11[%mul3A_2, %dma_start3A] : memref<10240x128xf32, #tpu.memory_space<vmem_shared>> -> memref<640x128xf32, #tpu.memory_space<vmem_shared>>
      tpu.enqueue_dma source(%arg5 : memref<640x128xf32, #tpu.memory_space<hbm>>) target(%dma_start3A_13 : memref<640x128xf32, #tpu.memory_space<vmem_shared>>) target_semaphore(%run_scoped3A : memref<!tpu.dma_semaphore, #tpu.memory_space<semaphore_mem>>)
      %dma_wait3A = arith.constant 0 : i32
      %dma_wait3A_14 = tpu.memref_slice %arg11[%mul3A_2, %dma_wait3A] : memref<10240x128xf32, #tpu.memory_space<vmem_shared>> -> memref<640x128xf32, #tpu.memory_space<vmem_shared>>
      tpu.wait_dma2 semaphore(%run_scoped3A : memref<!tpu.dma_semaphore, #tpu.memory_space<semaphore_mem>>) src(%arg5 : memref<640x128xf32, #tpu.memory_space<hbm>>) dst(%dma_wait3A_14 : memref<640x128xf32, #tpu.memory_space<vmem_shared>>)
      tpu.yield
    }) : () -> ()
    %barrier3A = arith.constant 0 : index
    tpu.barrier barrier_id(%barrier3A)
    %scan3A = arith.constant 0 : i32
    %scan3A_3 = arith.constant 0 : i32
    %scan3A_4 = arith.constant 5 : i32
    %scan3A_5 = arith.addi %scan3A_3, %scan3A_4 : i32
    %scan3A_6 = arith.constant 1 : i32
    scf.for %scan3A_13 = %scan3A_3 to %scan3A_5 step %scan3A_6  : i32 {
      %mul3A_14 = arith.constant 5 : i32
      %mul3A_15 = arith.muli %add3A, %mul3A_14 : i32
      %add3A_16 = arith.addi %mul3A_15, %scan3A_13 : i32
      "tpu.region"() ({
        %run_scoped3A = tpu.sem_alloc : memref<!tpu.dma_semaphore, #tpu.memory_space<semaphore_mem>>
        %dma_start3A = arith.constant 0 : i32
        %dma_start3A_23 = arith.constant 0 : i32
        %dma_start3A_24 = tpu.memref_slice %arg3[%add3A_16, %dma_start3A, %dma_start3A_23] : memref<160x16x128xi32, #tpu.memory_space<hbm>> -> memref<1x16x128xi32, #tpu.memory_space<hbm>>
        %dma_start3A_25 = tpu.memref_squeeze %dma_start3A_24 : memref<1x16x128xi32, #tpu.memory_space<hbm>> -> memref<16x128xi32, #tpu.memory_space<hbm>>
        %dma_start3A_26 = arith.constant 0 : i32
        %dma_start3A_27 = arith.constant 0 : i32
        %dma_start3A_28 = tpu.memref_slice %arg3[%add3A_16, %dma_start3A_26, %dma_start3A_27] : memref<160x16x128xi32, #tpu.memory_space<hbm>> -> memref<1x16x128xi32, #tpu.memory_space<hbm>>
        %dma_start3A_29 = tpu.memref_squeeze %dma_start3A_28 : memref<1x16x128xi32, #tpu.memory_space<hbm>> -> memref<16x128xi32, #tpu.memory_space<hbm>>
        tpu.enqueue_dma source(%dma_start3A_29 : memref<16x128xi32, #tpu.memory_space<hbm>>) target(%arg7 : memref<16x128xi32, #tpu.memory_space<vmem>>) target_semaphore(%run_scoped3A : memref<!tpu.dma_semaphore, #tpu.memory_space<semaphore_mem>>)
        %dma_wait3A = arith.constant 0 : i32
        %dma_wait3A_30 = arith.constant 0 : i32
        %dma_wait3A_31 = tpu.memref_slice %arg3[%add3A_16, %dma_wait3A, %dma_wait3A_30] : memref<160x16x128xi32, #tpu.memory_space<hbm>> -> memref<1x16x128xi32, #tpu.memory_space<hbm>>
        %dma_wait3A_32 = tpu.memref_squeeze %dma_wait3A_31 : memref<1x16x128xi32, #tpu.memory_space<hbm>> -> memref<16x128xi32, #tpu.memory_space<hbm>>
        %dma_wait3A_33 = arith.constant 0 : i32
        %dma_wait3A_34 = arith.constant 0 : i32
        %dma_wait3A_35 = tpu.memref_slice %arg3[%add3A_16, %dma_wait3A_33, %dma_wait3A_34] : memref<160x16x128xi32, #tpu.memory_space<hbm>> -> memref<1x16x128xi32, #tpu.memory_space<hbm>>
        %dma_wait3A_36 = tpu.memref_squeeze %dma_wait3A_35 : memref<1x16x128xi32, #tpu.memory_space<hbm>> -> memref<16x128xi32, #tpu.memory_space<hbm>>
        tpu.wait_dma2 semaphore(%run_scoped3A : memref<!tpu.dma_semaphore, #tpu.memory_space<semaphore_mem>>) src(%dma_wait3A_36 : memref<16x128xi32, #tpu.memory_space<hbm>>) dst(%arg7 : memref<16x128xi32, #tpu.memory_space<vmem>>)
        tpu.yield
      }) : () -> ()
      "tpu.region"() ({
        %run_scoped3A = tpu.sem_alloc : memref<!tpu.dma_semaphore, #tpu.memory_space<semaphore_mem>>
        %dma_start3A = arith.constant 0 : i32
        %dma_start3A_23 = arith.constant 0 : i32
        %dma_start3A_24 = tpu.memref_slice %arg4[%add3A_16, %dma_start3A, %dma_start3A_23] : memref<160x16x128xi32, #tpu.memory_space<hbm>> -> memref<1x16x128xi32, #tpu.memory_space<hbm>>
        %dma_start3A_25 = tpu.memref_squeeze %dma_start3A_24 : memref<1x16x128xi32, #tpu.memory_space<hbm>> -> memref<16x128xi32, #tpu.memory_space<hbm>>
        %dma_start3A_26 = arith.constant 0 : i32
        %dma_start3A_27 = arith.constant 0 : i32
        %dma_start3A_28 = tpu.memref_slice %arg4[%add3A_16, %dma_start3A_26, %dma_start3A_27] : memref<160x16x128xi32, #tpu.memory_space<hbm>> -> memref<1x16x128xi32, #tpu.memory_space<hbm>>
        %dma_start3A_29 = tpu.memref_squeeze %dma_start3A_28 : memref<1x16x128xi32, #tpu.memory_space<hbm>> -> memref<16x128xi32, #tpu.memory_space<hbm>>
        tpu.enqueue_dma source(%dma_start3A_29 : memref<16x128xi32, #tpu.memory_space<hbm>>) target(%arg8 : memref<16x128xi32, #tpu.memory_space<vmem>>) target_semaphore(%run_scoped3A : memref<!tpu.dma_semaphore, #tpu.memory_space<semaphore_mem>>)
        %dma_wait3A = arith.constant 0 : i32
        %dma_wait3A_30 = arith.constant 0 : i32
        %dma_wait3A_31 = tpu.memref_slice %arg4[%add3A_16, %dma_wait3A, %dma_wait3A_30] : memref<160x16x128xi32, #tpu.memory_space<hbm>> -> memref<1x16x128xi32, #tpu.memory_space<hbm>>
        %dma_wait3A_32 = tpu.memref_squeeze %dma_wait3A_31 : memref<1x16x128xi32, #tpu.memory_space<hbm>> -> memref<16x128xi32, #tpu.memory_space<hbm>>
        %dma_wait3A_33 = arith.constant 0 : i32
        %dma_wait3A_34 = arith.constant 0 : i32
        %dma_wait3A_35 = tpu.memref_slice %arg4[%add3A_16, %dma_wait3A_33, %dma_wait3A_34] : memref<160x16x128xi32, #tpu.memory_space<hbm>> -> memref<1x16x128xi32, #tpu.memory_space<hbm>>
        %dma_wait3A_36 = tpu.memref_squeeze %dma_wait3A_35 : memref<1x16x128xi32, #tpu.memory_space<hbm>> -> memref<16x128xi32, #tpu.memory_space<hbm>>
        tpu.wait_dma2 semaphore(%run_scoped3A : memref<!tpu.dma_semaphore, #tpu.memory_space<semaphore_mem>>) src(%dma_wait3A_36 : memref<16x128xi32, #tpu.memory_space<hbm>>) dst(%arg8 : memref<16x128xi32, #tpu.memory_space<vmem>>)
        tpu.yield
      }) : () -> ()
      %scan3A_17 = arith.constant 0 : i32
      %scan3A_18 = arith.constant 0 : i32
      %scan3A_19 = arith.constant 16 : i32
      %scan3A_20 = arith.addi %scan3A_18, %scan3A_19 : i32
      %scan3A_21 = arith.constant 1 : i32
      scf.for %scan3A_23 = %scan3A_18 to %scan3A_20 step %scan3A_21  : i32 {
        %dma_start3A = arith.constant 0 : i32
        %dma_start3A_24 = tpu.memref_slice %arg7[%scan3A_23, %dma_start3A] : memref<16x128xi32, #tpu.memory_space<vmem>> -> memref<1x128xi32, #tpu.memory_space<vmem>>
        %dma_start3A_25 = tpu.memref_squeeze %dma_start3A_24 : memref<1x128xi32, #tpu.memory_space<vmem>> -> memref<128xi32, #tpu.memory_space<vmem>>
        %dma_start3A_26 = arith.constant 0 : i32
        %dma_start3A_27 = arith.constant 0 : i32
        %dma_start3A_28 = tpu.memref_slice %arg2[%dma_start3A_26, %dma_start3A_27] : memref<10000x128xf32, #tpu.memory_space<hbm>> -> memref<10000x128xf32, #tpu.memory_space<hbm>>
        tpu.enqueue_indirect_dma source(%dma_start3A_28 : memref<10000x128xf32, #tpu.memory_space<hbm>>) target(%arg9 : memref<128x128xf32, #tpu.memory_space<vmem>>) offsets(%dma_start3A_25 : memref<128xi32, #tpu.memory_space<vmem>>) semaphore(%arg12 : memref<!tpu.dma_semaphore, #tpu.memory_space<semaphore_mem>>)
        %dma_wait3A = arith.constant 0 : i32
        %dma_wait3A_29 = tpu.memref_slice %arg7[%scan3A_23, %dma_wait3A] : memref<16x128xi32, #tpu.memory_space<vmem>> -> memref<1x128xi32, #tpu.memory_space<vmem>>
        %dma_wait3A_30 = tpu.memref_squeeze %dma_wait3A_29 : memref<1x128xi32, #tpu.memory_space<vmem>> -> memref<128xi32, #tpu.memory_space<vmem>>
        %dma_wait3A_31 = arith.constant 0 : i32
        %dma_wait3A_32 = arith.constant 0 : i32
        %dma_wait3A_33 = tpu.memref_slice %arg2[%dma_wait3A_31, %dma_wait3A_32] : memref<10000x128xf32, #tpu.memory_space<hbm>> -> memref<10000x128xf32, #tpu.memory_space<hbm>>
        tpu.wait_indirect_dma semaphore(%arg12 : memref<!tpu.dma_semaphore, #tpu.memory_space<semaphore_mem>>) src(%dma_wait3A_33 : memref<10000x128xf32, #tpu.memory_space<hbm>>) dst(%arg9 : memref<128x128xf32, #tpu.memory_space<vmem>>)
        "tpu.region"() ({
          %run_scoped3A = tpu.sem_alloc : memref<!tpu.dma_semaphore, #tpu.memory_space<semaphore_mem>>
          %dma_start3A_34 = arith.constant 0 : i32
          %dma_start3A_35 = tpu.memref_slice %arg8[%scan3A_23, %dma_start3A_34] : memref<16x128xi32, #tpu.memory_space<vmem>> -> memref<1x128xi32, #tpu.memory_space<vmem>>
          %dma_start3A_36 = tpu.memref_squeeze %dma_start3A_35 : memref<1x128xi32, #tpu.memory_space<vmem>> -> memref<128xi32, #tpu.memory_space<vmem>>
          %dma_start3A_37 = arith.constant 0 : i32
          %dma_start3A_38 = arith.constant 0 : i32
          %dma_start3A_39 = tpu.memref_slice %arg11[%dma_start3A_37, %dma_start3A_38] : memref<10240x128xf32, #tpu.memory_space<vmem_shared>> -> memref<10240x128xf32, #tpu.memory_space<vmem_shared>>
          tpu.enqueue_indirect_dma source(%arg9 : memref<128x128xf32, #tpu.memory_space<vmem>>) target(%dma_start3A_39 : memref<10240x128xf32, #tpu.memory_space<vmem_shared>>) offsets(%dma_start3A_36 : memref<128xi32, #tpu.memory_space<vmem>>) semaphore(%run_scoped3A : memref<!tpu.dma_semaphore, #tpu.memory_space<semaphore_mem>>) {add = true}
          %dma_wait3A_40 = arith.constant 0 : i32
          %dma_wait3A_41 = tpu.memref_slice %arg8[%scan3A_23, %dma_wait3A_40] : memref<16x128xi32, #tpu.memory_space<vmem>> -> memref<1x128xi32, #tpu.memory_space<vmem>>
          %dma_wait3A_42 = tpu.memref_squeeze %dma_wait3A_41 : memref<1x128xi32, #tpu.memory_space<vmem>> -> memref<128xi32, #tpu.memory_space<vmem>>
          %dma_wait3A_43 = arith.constant 0 : i32
          %dma_wait3A_44 = arith.constant 0 : i32
          %dma_wait3A_45 = tpu.memref_slice %arg11[%dma_wait3A_43, %dma_wait3A_44] : memref<10240x128xf32, #tpu.memory_space<vmem_shared>> -> memref<10240x128xf32, #tpu.memory_space<vmem_shared>>
          tpu.wait_indirect_dma semaphore(%run_scoped3A : memref<!tpu.dma_semaphore, #tpu.memory_space<semaphore_mem>>) src(%arg9 : memref<128x128xf32, #tpu.memory_space<vmem>>) dst(%dma_wait3A_45 : memref<10240x128xf32, #tpu.memory_space<vmem_shared>>)
          tpu.yield
        }) : () -> ()
      }
      %scan3A_22 = arith.constant 16 : i32
    }
    %scan3A_7 = arith.constant 5 : i32
    %barrier3A_8 = arith.constant 0 : index
    tpu.barrier barrier_id(%barrier3A_8)
    %mul3A_9 = arith.constant 640 : i32
    %mul3A_10 = arith.muli %arg1, %mul3A_9 : i32
    %mul3A_11 = arith.constant 640 : i32
    %mul3A_12 = arith.muli %arg1, %mul3A_11 : i32
    "tpu.region"() ({
      %run_scoped3A = tpu.sem_alloc : memref<!tpu.dma_semaphore, #tpu.memory_space<semaphore_mem>>
      %dma_start3A = arith.constant 0 : i32
      %dma_start3A_13 = tpu.memref_slice %arg6[%arg0, %mul3A_12, %dma_start3A] : memref<2x10240x128xf32, #tpu.memory_space<hbm>> -> memref<1x640x128xf32, #tpu.memory_space<hbm>>
      %dma_start3A_14 = tpu.memref_squeeze %dma_start3A_13 : memref<1x640x128xf32, #tpu.memory_space<hbm>> -> memref<640x128xf32, #tpu.memory_space<hbm>>
      %dma_start3A_15 = arith.constant 0 : i32
      %dma_start3A_16 = tpu.memref_slice %arg11[%mul3A_10, %dma_start3A_15] : memref<10240x128xf32, #tpu.memory_space<vmem_shared>> -> memref<640x128xf32, #tpu.memory_space<vmem_shared>>
      tpu.enqueue_dma source(%dma_start3A_16 : memref<640x128xf32, #tpu.memory_space<vmem_shared>>) target(%dma_start3A_14 : memref<640x128xf32, #tpu.memory_space<hbm>>) target_semaphore(%run_scoped3A : memref<!tpu.dma_semaphore, #tpu.memory_space<semaphore_mem>>)
      %dma_wait3A = arith.constant 0 : i32
      %dma_wait3A_17 = tpu.memref_slice %arg6[%arg0, %mul3A_12, %dma_wait3A] : memref<2x10240x128xf32, #tpu.memory_space<hbm>> -> memref<1x640x128xf32, #tpu.memory_space<hbm>>
      %dma_wait3A_18 = tpu.memref_squeeze %dma_wait3A_17 : memref<1x640x128xf32, #tpu.memory_space<hbm>> -> memref<640x128xf32, #tpu.memory_space<hbm>>
      %dma_wait3A_19 = arith.constant 0 : i32
      %dma_wait3A_20 = tpu.memref_slice %arg11[%mul3A_10, %dma_wait3A_19] : memref<10240x128xf32, #tpu.memory_space<vmem_shared>> -> memref<640x128xf32, #tpu.memory_space<vmem_shared>>
      tpu.wait_dma2 semaphore(%run_scoped3A : memref<!tpu.dma_semaphore, #tpu.memory_space<semaphore_mem>>) src(%dma_wait3A_20 : memref<640x128xf32, #tpu.memory_space<vmem_shared>>) dst(%dma_wait3A_18 : memref<640x128xf32, #tpu.memory_space<hbm>>)
      tpu.yield
    }) : () -> ()
    return
  }
}

#map = affine_map<(d0, d1) -> (0, 0)>
#map1 = affine_map<(d0, d1) -> (0, 0, 0)>
module attributes {stable_mosaic.version = 14 : i64} {
  func.func @_sc_aggregate(%arg0: i32, %arg1: i32, %arg2: memref<10000x128xf32, #tpu.memory_space<hbm>>, %arg3: memref<160x16x128xi32, #tpu.memory_space<hbm>>, %arg4: memref<160x16x128xi32, #tpu.memory_space<hbm>>, %arg5: memref<640x128xf32, #tpu.memory_space<hbm>>, %arg6: memref<2x10240x128xf32, #tpu.memory_space<hbm>>, %arg7: memref<16x128xi32, #tpu.memory_space<vmem>>, %arg8: memref<16x128xi32, #tpu.memory_space<vmem>>, %arg9: memref<128x128xf32, #tpu.memory_space<vmem>>, %arg10: memref<128x128xf32, #tpu.memory_space<vmem>>, %arg11: memref<10240x128xf32, #tpu.memory_space<vmem_shared>>, %arg12: memref<!tpu.dma_semaphore, #tpu.memory_space<semaphore_mem>>, %arg13: memref<!tpu.dma_semaphore, #tpu.memory_space<semaphore_mem>>) attributes {dimension_semantics = [#tpu.dimension_semantics<core_parallel>, #tpu.dimension_semantics<subcore_parallel>], iteration_bounds = array<i64: 2, 16>, scalar_prefetch = 0 : i64, scratch_operands = 7 : i64, tpu.core_type = #tpu.core_type<sc_vector_subcore>, window_params = [{transform_indices = #map}, {transform_indices = #map1}, {transform_indices = #map1}, {transform_indices = #map}, {transform_indices = #map1}]} {
    %mul3A = arith.constant 2 : i32
    %mul3A_0 = arith.muli %arg1, %mul3A : i32
    %add3A = arith.addi %mul3A_0, %arg0 : i32
    %mul3A_1 = arith.constant 640 : i32
    %mul3A_2 = arith.muli %arg1, %mul3A_1 : i32
    "tpu.region"() ({
      %run_scoped3A = tpu.sem_alloc : memref<!tpu.dma_semaphore, #tpu.memory_space<semaphore_mem>>
      %dma_start3A = arith.constant 0 : i32
      %dma_start3A_13 = tpu.memref_slice %arg11[%mul3A_2, %dma_start3A] : memref<10240x128xf32, #tpu.memory_space<vmem_shared>> -> memref<640x128xf32, #tpu.memory_space<vmem_shared>>
      tpu.enqueue_dma source(%arg5 : memref<640x128xf32, #tpu.memory_space<hbm>>) target(%dma_start3A_13 : memref<640x128xf32, #tpu.memory_space<vmem_shared>>) target_semaphore(%run_scoped3A : memref<!tpu.dma_semaphore, #tpu.memory_space<semaphore_mem>>)
      %dma_wait3A = arith.constant 0 : i32
      %dma_wait3A_14 = tpu.memref_slice %arg11[%mul3A_2, %dma_wait3A] : memref<10240x128xf32, #tpu.memory_space<vmem_shared>> -> memref<640x128xf32, #tpu.memory_space<vmem_shared>>
      tpu.wait_dma2 semaphore(%run_scoped3A : memref<!tpu.dma_semaphore, #tpu.memory_space<semaphore_mem>>) src(%arg5 : memref<640x128xf32, #tpu.memory_space<hbm>>) dst(%dma_wait3A_14 : memref<640x128xf32, #tpu.memory_space<vmem_shared>>)
      tpu.yield
    }) : () -> ()
    %barrier3A = arith.constant 0 : index
    tpu.barrier barrier_id(%barrier3A)
    %scan3A = arith.constant 0 : i32
    %scan3A_3 = arith.constant 0 : i32
    %scan3A_4 = arith.constant 5 : i32
    %scan3A_5 = arith.addi %scan3A_3, %scan3A_4 : i32
    %scan3A_6 = arith.constant 1 : i32
    scf.for %scan3A_13 = %scan3A_3 to %scan3A_5 step %scan3A_6  : i32 {
      %mul3A_14 = arith.constant 5 : i32
      %mul3A_15 = arith.muli %add3A, %mul3A_14 : i32
      %add3A_16 = arith.addi %mul3A_15, %scan3A_13 : i32
      "tpu.region"() ({
        %run_scoped3A = tpu.sem_alloc : memref<!tpu.dma_semaphore, #tpu.memory_space<semaphore_mem>>
        %dma_start3A = arith.constant 0 : i32
        %dma_start3A_23 = arith.constant 0 : i32
        %dma_start3A_24 = tpu.memref_slice %arg3[%add3A_16, %dma_start3A, %dma_start3A_23] : memref<160x16x128xi32, #tpu.memory_space<hbm>> -> memref<1x16x128xi32, #tpu.memory_space<hbm>>
        %dma_start3A_25 = tpu.memref_squeeze %dma_start3A_24 : memref<1x16x128xi32, #tpu.memory_space<hbm>> -> memref<16x128xi32, #tpu.memory_space<hbm>>
        %dma_start3A_26 = arith.constant 0 : i32
        %dma_start3A_27 = arith.constant 0 : i32
        %dma_start3A_28 = tpu.memref_slice %arg3[%add3A_16, %dma_start3A_26, %dma_start3A_27] : memref<160x16x128xi32, #tpu.memory_space<hbm>> -> memref<1x16x128xi32, #tpu.memory_space<hbm>>
        %dma_start3A_29 = tpu.memref_squeeze %dma_start3A_28 : memref<1x16x128xi32, #tpu.memory_space<hbm>> -> memref<16x128xi32, #tpu.memory_space<hbm>>
        tpu.enqueue_dma source(%dma_start3A_29 : memref<16x128xi32, #tpu.memory_space<hbm>>) target(%arg7 : memref<16x128xi32, #tpu.memory_space<vmem>>) target_semaphore(%run_scoped3A : memref<!tpu.dma_semaphore, #tpu.memory_space<semaphore_mem>>)
        %dma_wait3A = arith.constant 0 : i32
        %dma_wait3A_30 = arith.constant 0 : i32
        %dma_wait3A_31 = tpu.memref_slice %arg3[%add3A_16, %dma_wait3A, %dma_wait3A_30] : memref<160x16x128xi32, #tpu.memory_space<hbm>> -> memref<1x16x128xi32, #tpu.memory_space<hbm>>
        %dma_wait3A_32 = tpu.memref_squeeze %dma_wait3A_31 : memref<1x16x128xi32, #tpu.memory_space<hbm>> -> memref<16x128xi32, #tpu.memory_space<hbm>>
        %dma_wait3A_33 = arith.constant 0 : i32
        %dma_wait3A_34 = arith.constant 0 : i32
        %dma_wait3A_35 = tpu.memref_slice %arg3[%add3A_16, %dma_wait3A_33, %dma_wait3A_34] : memref<160x16x128xi32, #tpu.memory_space<hbm>> -> memref<1x16x128xi32, #tpu.memory_space<hbm>>
        %dma_wait3A_36 = tpu.memref_squeeze %dma_wait3A_35 : memref<1x16x128xi32, #tpu.memory_space<hbm>> -> memref<16x128xi32, #tpu.memory_space<hbm>>
        tpu.wait_dma2 semaphore(%run_scoped3A : memref<!tpu.dma_semaphore, #tpu.memory_space<semaphore_mem>>) src(%dma_wait3A_36 : memref<16x128xi32, #tpu.memory_space<hbm>>) dst(%arg7 : memref<16x128xi32, #tpu.memory_space<vmem>>)
        tpu.yield
      }) : () -> ()
      "tpu.region"() ({
        %run_scoped3A = tpu.sem_alloc : memref<!tpu.dma_semaphore, #tpu.memory_space<semaphore_mem>>
        %dma_start3A = arith.constant 0 : i32
        %dma_start3A_23 = arith.constant 0 : i32
        %dma_start3A_24 = tpu.memref_slice %arg4[%add3A_16, %dma_start3A, %dma_start3A_23] : memref<160x16x128xi32, #tpu.memory_space<hbm>> -> memref<1x16x128xi32, #tpu.memory_space<hbm>>
        %dma_start3A_25 = tpu.memref_squeeze %dma_start3A_24 : memref<1x16x128xi32, #tpu.memory_space<hbm>> -> memref<16x128xi32, #tpu.memory_space<hbm>>
        %dma_start3A_26 = arith.constant 0 : i32
        %dma_start3A_27 = arith.constant 0 : i32
        %dma_start3A_28 = tpu.memref_slice %arg4[%add3A_16, %dma_start3A_26, %dma_start3A_27] : memref<160x16x128xi32, #tpu.memory_space<hbm>> -> memref<1x16x128xi32, #tpu.memory_space<hbm>>
        %dma_start3A_29 = tpu.memref_squeeze %dma_start3A_28 : memref<1x16x128xi32, #tpu.memory_space<hbm>> -> memref<16x128xi32, #tpu.memory_space<hbm>>
        tpu.enqueue_dma source(%dma_start3A_29 : memref<16x128xi32, #tpu.memory_space<hbm>>) target(%arg8 : memref<16x128xi32, #tpu.memory_space<vmem>>) target_semaphore(%run_scoped3A : memref<!tpu.dma_semaphore, #tpu.memory_space<semaphore_mem>>)
        %dma_wait3A = arith.constant 0 : i32
        %dma_wait3A_30 = arith.constant 0 : i32
        %dma_wait3A_31 = tpu.memref_slice %arg4[%add3A_16, %dma_wait3A, %dma_wait3A_30] : memref<160x16x128xi32, #tpu.memory_space<hbm>> -> memref<1x16x128xi32, #tpu.memory_space<hbm>>
        %dma_wait3A_32 = tpu.memref_squeeze %dma_wait3A_31 : memref<1x16x128xi32, #tpu.memory_space<hbm>> -> memref<16x128xi32, #tpu.memory_space<hbm>>
        %dma_wait3A_33 = arith.constant 0 : i32
        %dma_wait3A_34 = arith.constant 0 : i32
        %dma_wait3A_35 = tpu.memref_slice %arg4[%add3A_16, %dma_wait3A_33, %dma_wait3A_34] : memref<160x16x128xi32, #tpu.memory_space<hbm>> -> memref<1x16x128xi32, #tpu.memory_space<hbm>>
        %dma_wait3A_36 = tpu.memref_squeeze %dma_wait3A_35 : memref<1x16x128xi32, #tpu.memory_space<hbm>> -> memref<16x128xi32, #tpu.memory_space<hbm>>
        tpu.wait_dma2 semaphore(%run_scoped3A : memref<!tpu.dma_semaphore, #tpu.memory_space<semaphore_mem>>) src(%dma_wait3A_36 : memref<16x128xi32, #tpu.memory_space<hbm>>) dst(%arg8 : memref<16x128xi32, #tpu.memory_space<vmem>>)
        tpu.yield
      }) : () -> ()
      %scan3A_17 = arith.constant 0 : i32
      %scan3A_18 = arith.constant 0 : i32
      %scan3A_19 = arith.constant 16 : i32
      %scan3A_20 = arith.addi %scan3A_18, %scan3A_19 : i32
      %scan3A_21 = arith.constant 1 : i32
      scf.for %scan3A_23 = %scan3A_18 to %scan3A_20 step %scan3A_21  : i32 {
        %dma_start3A = arith.constant 0 : i32
        %dma_start3A_24 = tpu.memref_slice %arg7[%scan3A_23, %dma_start3A] : memref<16x128xi32, #tpu.memory_space<vmem>> -> memref<1x128xi32, #tpu.memory_space<vmem>>
        %dma_start3A_25 = tpu.memref_squeeze %dma_start3A_24 : memref<1x128xi32, #tpu.memory_space<vmem>> -> memref<128xi32, #tpu.memory_space<vmem>>
        %dma_start3A_26 = arith.constant 0 : i32
        %dma_start3A_27 = arith.constant 0 : i32
        %dma_start3A_28 = tpu.memref_slice %arg2[%dma_start3A_26, %dma_start3A_27] : memref<10000x128xf32, #tpu.memory_space<hbm>> -> memref<10000x128xf32, #tpu.memory_space<hbm>>
        tpu.enqueue_indirect_dma source(%dma_start3A_28 : memref<10000x128xf32, #tpu.memory_space<hbm>>) target(%arg9 : memref<128x128xf32, #tpu.memory_space<vmem>>) offsets(%dma_start3A_25 : memref<128xi32, #tpu.memory_space<vmem>>) semaphore(%arg12 : memref<!tpu.dma_semaphore, #tpu.memory_space<semaphore_mem>>)
        %dma_wait3A = arith.constant 0 : i32
        %dma_wait3A_29 = tpu.memref_slice %arg7[%scan3A_23, %dma_wait3A] : memref<16x128xi32, #tpu.memory_space<vmem>> -> memref<1x128xi32, #tpu.memory_space<vmem>>
        %dma_wait3A_30 = tpu.memref_squeeze %dma_wait3A_29 : memref<1x128xi32, #tpu.memory_space<vmem>> -> memref<128xi32, #tpu.memory_space<vmem>>
        %dma_wait3A_31 = arith.constant 0 : i32
        %dma_wait3A_32 = arith.constant 0 : i32
        %dma_wait3A_33 = tpu.memref_slice %arg2[%dma_wait3A_31, %dma_wait3A_32] : memref<10000x128xf32, #tpu.memory_space<hbm>> -> memref<10000x128xf32, #tpu.memory_space<hbm>>
        tpu.wait_indirect_dma semaphore(%arg12 : memref<!tpu.dma_semaphore, #tpu.memory_space<semaphore_mem>>) src(%dma_wait3A_33 : memref<10000x128xf32, #tpu.memory_space<hbm>>) dst(%arg9 : memref<128x128xf32, #tpu.memory_space<vmem>>)
        "tpu.region"() ({
          %run_scoped3A = tpu.sem_alloc : memref<!tpu.dma_semaphore, #tpu.memory_space<semaphore_mem>>
          %dma_start3A_34 = arith.constant 0 : i32
          %dma_start3A_35 = tpu.memref_slice %arg8[%scan3A_23, %dma_start3A_34] : memref<16x128xi32, #tpu.memory_space<vmem>> -> memref<1x128xi32, #tpu.memory_space<vmem>>
          %dma_start3A_36 = tpu.memref_squeeze %dma_start3A_35 : memref<1x128xi32, #tpu.memory_space<vmem>> -> memref<128xi32, #tpu.memory_space<vmem>>
          %dma_start3A_37 = arith.constant 0 : i32
          %dma_start3A_38 = arith.constant 0 : i32
          %dma_start3A_39 = tpu.memref_slice %arg11[%dma_start3A_37, %dma_start3A_38] : memref<10240x128xf32, #tpu.memory_space<vmem_shared>> -> memref<10240x128xf32, #tpu.memory_space<vmem_shared>>
          tpu.enqueue_indirect_dma source(%arg9 : memref<128x128xf32, #tpu.memory_space<vmem>>) target(%dma_start3A_39 : memref<10240x128xf32, #tpu.memory_space<vmem_shared>>) offsets(%dma_start3A_36 : memref<128xi32, #tpu.memory_space<vmem>>) semaphore(%run_scoped3A : memref<!tpu.dma_semaphore, #tpu.memory_space<semaphore_mem>>) {add = true}
          %dma_wait3A_40 = arith.constant 0 : i32
          %dma_wait3A_41 = tpu.memref_slice %arg8[%scan3A_23, %dma_wait3A_40] : memref<16x128xi32, #tpu.memory_space<vmem>> -> memref<1x128xi32, #tpu.memory_space<vmem>>
          %dma_wait3A_42 = tpu.memref_squeeze %dma_wait3A_41 : memref<1x128xi32, #tpu.memory_space<vmem>> -> memref<128xi32, #tpu.memory_space<vmem>>
          %dma_wait3A_43 = arith.constant 0 : i32
          %dma_wait3A_44 = arith.constant 0 : i32
          %dma_wait3A_45 = tpu.memref_slice %arg11[%dma_wait3A_43, %dma_wait3A_44] : memref<10240x128xf32, #tpu.memory_space<vmem_shared>> -> memref<10240x128xf32, #tpu.memory_space<vmem_shared>>
          tpu.wait_indirect_dma semaphore(%run_scoped3A : memref<!tpu.dma_semaphore, #tpu.memory_space<semaphore_mem>>) src(%arg9 : memref<128x128xf32, #tpu.memory_space<vmem>>) dst(%dma_wait3A_45 : memref<10240x128xf32, #tpu.memory_space<vmem_shared>>)
          tpu.yield
        }) : () -> ()
      }
      %scan3A_22 = arith.constant 16 : i32
    }
    %scan3A_7 = arith.constant 5 : i32
    %barrier3A_8 = arith.constant 0 : index
    tpu.barrier barrier_id(%barrier3A_8)
    %mul3A_9 = arith.constant 640 : i32
    %mul3A_10 = arith.muli %arg1, %mul3A_9 : i32
    %mul3A_11 = arith.constant 640 : i32
    %mul3A_12 = arith.muli %arg1, %mul3A_11 : i32
    "tpu.region"() ({
      %run_scoped3A = tpu.sem_alloc : memref<!tpu.dma_semaphore, #tpu.memory_space<semaphore_mem>>
      %dma_start3A = arith.constant 0 : i32
      %dma_start3A_13 = tpu.memref_slice %arg6[%arg0, %mul3A_12, %dma_start3A] : memref<2x10240x128xf32, #tpu.memory_space<hbm>> -> memref<1x640x128xf32, #tpu.memory_space<hbm>>
      %dma_start3A_14 = tpu.memref_squeeze %dma_start3A_13 : memref<1x640x128xf32, #tpu.memory_space<hbm>> -> memref<640x128xf32, #tpu.memory_space<hbm>>
      %dma_start3A_15 = arith.constant 0 : i32
      %dma_start3A_16 = tpu.memref_slice %arg11[%mul3A_10, %dma_start3A_15] : memref<10240x128xf32, #tpu.memory_space<vmem_shared>> -> memref<640x128xf32, #tpu.memory_space<vmem_shared>>
      tpu.enqueue_dma source(%dma_start3A_16 : memref<640x128xf32, #tpu.memory_space<vmem_shared>>) target(%dma_start3A_14 : memref<640x128xf32, #tpu.memory_space<hbm>>) target_semaphore(%run_scoped3A : memref<!tpu.dma_semaphore, #tpu.memory_space<semaphore_mem>>)
      %dma_wait3A = arith.constant 0 : i32
      %dma_wait3A_17 = tpu.memref_slice %arg6[%arg0, %mul3A_12, %dma_wait3A] : memref<2x10240x128xf32, #tpu.memory_space<hbm>> -> memref<1x640x128xf32, #tpu.memory_space<hbm>>
      %dma_wait3A_18 = tpu.memref_squeeze %dma_wait3A_17 : memref<1x640x128xf32, #tpu.memory_space<hbm>> -> memref<640x128xf32, #tpu.memory_space<hbm>>
      %dma_wait3A_19 = arith.constant 0 : i32
      %dma_wait3A_20 = tpu.memref_slice %arg11[%mul3A_10, %dma_wait3A_19] : memref<10240x128xf32, #tpu.memory_space<vmem_shared>> -> memref<640x128xf32, #tpu.memory_space<vmem_shared>>
      tpu.wait_dma2 semaphore(%run_scoped3A : memref<!tpu.dma_semaphore, #tpu.memory_space<semaphore_mem>>) src(%dma_wait3A_20 : memref<640x128xf32, #tpu.memory_space<vmem_shared>>) dst(%dma_wait3A_18 : memref<640x128xf32, #tpu.memory_space<hbm>>)
      tpu.yield
    }) : () -> ()
    return
  }
}

module attributes {stable_mosaic.version = 14 : i64} {
  func.func @_tc_scale_matmul_body(%arg0: memref<2x10240x16xf32, #tpu.memory_space<vmem>>, %arg1: memref<10000x128xf32, #tpu.memory_space<vmem>>, %arg2: memref<128x128xf32, #tpu.memory_space<vmem>>, %arg3: memref<10000x128xf32, #tpu.memory_space<vmem>>) attributes {dimension_semantics = [], scalar_prefetch = 0 : i64, scratch_operands = 0 : i64, tpu.core_type = #tpu.core_type<tc>} {
    %get3A = arith.constant 0 : index
    %get3A_0 = arith.constant 0 : index
    %get3A_1 = arith.constant 0 : index
    %get3A_2 = vector.load %arg0[%get3A, %get3A_0, %get3A_1] : memref<2x10240x16xf32, #tpu.memory_space<vmem>>, vector<2x10240x16xf32>
    %slice3A = vector.extract_strided_slice %get3A_2 {offsets = [0, 0, 0], sizes = [1, 10000, 1], strides = [1, 1, 1]} : vector<2x10240x16xf32> to vector<1x10000x1xf32>
    %squeeze3A = vector.shape_cast %slice3A : vector<1x10000x1xf32> to vector<10000x1xf32>
    %slice3A_3 = vector.extract_strided_slice %get3A_2 {offsets = [1, 0, 0], sizes = [1, 10000, 1], strides = [1, 1, 1]} : vector<2x10240x16xf32> to vector<1x10000x1xf32>
    %squeeze3A_4 = vector.shape_cast %slice3A_3 : vector<1x10000x1xf32> to vector<10000x1xf32>
    %add3A = arith.addf %squeeze3A, %squeeze3A_4 : vector<10000x1xf32>
    %add3A_5 = arith.constant 1.000000e+00 : f32
    %add3A_6 = vector.broadcast %add3A_5 : f32 to vector<10000x1xf32>
    %add3A_7 = arith.addf %add3A, %add3A_6 : vector<10000x1xf32>
    %rsqrt3A = math.rsqrt %add3A_7 : vector<10000x1xf32>
    %get3A_8 = arith.constant 0 : index
    %get3A_9 = arith.constant 0 : index
    %get3A_10 = vector.load %arg1[%get3A_8, %get3A_9] : memref<10000x128xf32, #tpu.memory_space<vmem>>, vector<10000x128xf32>
    %mul3A = vector.broadcast %rsqrt3A : vector<10000x1xf32> to vector<10000x128xf32>
    %mul3A_11 = arith.mulf %get3A_10, %mul3A : vector<10000x128xf32>
    %get3A_12 = arith.constant 0 : index
    %get3A_13 = arith.constant 0 : index
    %get3A_14 = vector.load %arg2[%get3A_12, %get3A_13] : memref<128x128xf32, #tpu.memory_space<vmem>>, vector<128x128xf32>
    %dot_general3A = arith.constant dense<0.000000e+00> : vector<10000x128xf32>
    %dot_general3A_15 = tpu.matmul %mul3A_11, %get3A_14, %dot_general3A {dimension_numbers = #tpu.dot_dimension_numbers<[1], [0], [0], [1], [0, 0, 1, 1], [], []>, transpose_lhs_hint = false} : vector<10000x128xf32>, vector<128x128xf32>, vector<10000x128xf32> -> vector<10000x128xf32>
    %swap3A = arith.constant 0 : index
    %swap3A_16 = arith.constant 0 : index
    %swap3A_17 = vector.load %arg3[%swap3A, %swap3A_16] : memref<10000x128xf32, #tpu.memory_space<vmem>>, vector<10000x128xf32>
    tpu.vector_store %arg3[%swap3A, %swap3A_16], %dot_general3A_15 {strides = array<i32>} : memref<10000x128xf32, #tpu.memory_space<vmem>>, vector<10000x128xf32>,
    return
  }
}

module attributes {stable_mosaic.version = 14 : i64} {
  func.func @_tc_mid_body(%arg0: memref<2x10240x16xf32, #tpu.memory_space<vmem>>, %arg1: memref<2x10240x128xf32, #tpu.memory_space<vmem>>, %arg2: memref<10000x128xf32, #tpu.memory_space<vmem>>, %arg3: memref<128xf32, #tpu.memory_space<vmem>>, %arg4: memref<128x128xf32, #tpu.memory_space<vmem>>, %arg5: memref<10000x128xf32, #tpu.memory_space<vmem>>) attributes {dimension_semantics = [], scalar_prefetch = 0 : i64, scratch_operands = 0 : i64, tpu.core_type = #tpu.core_type<tc>} {
    %get3A = arith.constant 0 : index
    %get3A_0 = arith.constant 0 : index
    %get3A_1 = arith.constant 0 : index
    %get3A_2 = vector.load %arg0[%get3A, %get3A_0, %get3A_1] : memref<2x10240x16xf32, #tpu.memory_space<vmem>>, vector<2x10240x16xf32>
    %slice3A = vector.extract_strided_slice %get3A_2 {offsets = [0, 0, 0], sizes = [1, 10000, 1], strides = [1, 1, 1]} : vector<2x10240x16xf32> to vector<1x10000x1xf32>
    %squeeze3A = vector.shape_cast %slice3A : vector<1x10000x1xf32> to vector<10000x1xf32>
    %slice3A_3 = vector.extract_strided_slice %get3A_2 {offsets = [1, 0, 0], sizes = [1, 10000, 1], strides = [1, 1, 1]} : vector<2x10240x16xf32> to vector<1x10000x1xf32>
    %squeeze3A_4 = vector.shape_cast %slice3A_3 : vector<1x10000x1xf32> to vector<10000x1xf32>
    %add3A = arith.addf %squeeze3A, %squeeze3A_4 : vector<10000x1xf32>
    %add3A_5 = arith.constant 1.000000e+00 : f32
    %add3A_6 = vector.broadcast %add3A_5 : f32 to vector<10000x1xf32>
    %add3A_7 = arith.addf %add3A, %add3A_6 : vector<10000x1xf32>
    %rsqrt3A = math.rsqrt %add3A_7 : vector<10000x1xf32>
    %get3A_8 = arith.constant 0 : index
    %get3A_9 = arith.constant 0 : index
    %get3A_10 = arith.constant 0 : index
    %get3A_11 = vector.load %arg1[%get3A_8, %get3A_9, %get3A_10] : memref<2x10240x128xf32, #tpu.memory_space<vmem>>, vector<2x10240x128xf32>
    %slice3A_12 = vector.extract_strided_slice %get3A_11 {offsets = [0, 0, 0], sizes = [1, 10000, 128], strides = [1, 1, 1]} : vector<2x10240x128xf32> to vector<1x10000x128xf32>
    %squeeze3A_13 = vector.shape_cast %slice3A_12 : vector<1x10000x128xf32> to vector<10000x128xf32>
    %slice3A_14 = vector.extract_strided_slice %get3A_11 {offsets = [1, 0, 0], sizes = [1, 10000, 128], strides = [1, 1, 1]} : vector<2x10240x128xf32> to vector<1x10000x128xf32>
    %squeeze3A_15 = vector.shape_cast %slice3A_14 : vector<1x10000x128xf32> to vector<10000x128xf32>
    %add3A_16 = arith.addf %squeeze3A_13, %squeeze3A_15 : vector<10000x128xf32>
    %get3A_17 = arith.constant 0 : index
    %get3A_18 = arith.constant 0 : index
    %get3A_19 = vector.load %arg2[%get3A_17, %get3A_18] : memref<10000x128xf32, #tpu.memory_space<vmem>>, vector<10000x128xf32>
    %add3A_20 = arith.addf %add3A_16, %get3A_19 : vector<10000x128xf32>
    %mul3A = vector.broadcast %rsqrt3A : vector<10000x1xf32> to vector<10000x128xf32>
    %mul3A_21 = arith.mulf %mul3A, %add3A_20 : vector<10000x128xf32>
    %get3A_22 = arith.constant 0 : index
    %get3A_23 = vector.load %arg3[%get3A_22] : memref<128xf32, #tpu.memory_space<vmem>>, vector<128xf32>
    %broadcast_in_dim3A = vector.shape_cast %get3A_23 : vector<128xf32> to vector<1x128xf32>
    %add3A_24 = vector.broadcast %broadcast_in_dim3A : vector<1x128xf32> to vector<10000x128xf32>
    %add3A_25 = arith.addf %mul3A_21, %add3A_24 : vector<10000x128xf32>
    %max3A = arith.constant 0.000000e+00 : f32
    %max3A_26 = vector.broadcast %max3A : f32 to vector<10000x128xf32>
    %max3A_27 = arith.maximumf %add3A_25, %max3A_26 : vector<10000x128xf32>
    %mul3A_28 = vector.broadcast %rsqrt3A : vector<10000x1xf32> to vector<10000x128xf32>
    %mul3A_29 = arith.mulf %mul3A_28, %max3A_27 : vector<10000x128xf32>
    %get3A_30 = arith.constant 0 : index
    %get3A_31 = arith.constant 0 : index
    %get3A_32 = vector.load %arg4[%get3A_30, %get3A_31] : memref<128x128xf32, #tpu.memory_space<vmem>>, vector<128x128xf32>
    %dot_general3A = arith.constant dense<0.000000e+00> : vector<10000x128xf32>
    %dot_general3A_33 = tpu.matmul %mul3A_29, %get3A_32, %dot_general3A {dimension_numbers = #tpu.dot_dimension_numbers<[1], [0], [0], [1], [0, 0, 1, 1], [], []>, transpose_lhs_hint = false} : vector<10000x128xf32>, vector<128x128xf32>, vector<10000x128xf32> -> vector<10000x128xf32>
    %swap3A = arith.constant 0 : index
    %swap3A_34 = arith.constant 0 : index
    %swap3A_35 = vector.load %arg5[%swap3A, %swap3A_34] : memref<10000x128xf32, #tpu.memory_space<vmem>>, vector<10000x128xf32>
    tpu.vector_store %arg5[%swap3A, %swap3A_34], %dot_general3A_33 {strides = array<i32>} : memref<10000x128xf32, #tpu.memory_space<vmem>>, vector<10000x128xf32>,
    return
  }
}

module attributes {stable_mosaic.version = 14 : i64} {
  func.func @_tc_final_body(%arg0: memref<2x10240x16xf32, #tpu.memory_space<vmem>>, %arg1: memref<2x10240x128xf32, #tpu.memory_space<vmem>>, %arg2: memref<10000x128xf32, #tpu.memory_space<vmem>>, %arg3: memref<128xf32, #tpu.memory_space<vmem>>, %arg4: memref<10000x128xf32, #tpu.memory_space<vmem>>) attributes {dimension_semantics = [], scalar_prefetch = 0 : i64, scratch_operands = 0 : i64, tpu.core_type = #tpu.core_type<tc>} {
    %get3A = arith.constant 0 : index
    %get3A_0 = arith.constant 0 : index
    %get3A_1 = arith.constant 0 : index
    %get3A_2 = vector.load %arg0[%get3A, %get3A_0, %get3A_1] : memref<2x10240x16xf32, #tpu.memory_space<vmem>>, vector<2x10240x16xf32>
    %slice3A = vector.extract_strided_slice %get3A_2 {offsets = [0, 0, 0], sizes = [1, 10000, 1], strides = [1, 1, 1]} : vector<2x10240x16xf32> to vector<1x10000x1xf32>
    %squeeze3A = vector.shape_cast %slice3A : vector<1x10000x1xf32> to vector<10000x1xf32>
    %slice3A_3 = vector.extract_strided_slice %get3A_2 {offsets = [1, 0, 0], sizes = [1, 10000, 1], strides = [1, 1, 1]} : vector<2x10240x16xf32> to vector<1x10000x1xf32>
    %squeeze3A_4 = vector.shape_cast %slice3A_3 : vector<1x10000x1xf32> to vector<10000x1xf32>
    %add3A = arith.addf %squeeze3A, %squeeze3A_4 : vector<10000x1xf32>
    %add3A_5 = arith.constant 1.000000e+00 : f32
    %add3A_6 = vector.broadcast %add3A_5 : f32 to vector<10000x1xf32>
    %add3A_7 = arith.addf %add3A, %add3A_6 : vector<10000x1xf32>
    %rsqrt3A = math.rsqrt %add3A_7 : vector<10000x1xf32>
    %get3A_8 = arith.constant 0 : index
    %get3A_9 = arith.constant 0 : index
    %get3A_10 = arith.constant 0 : index
    %get3A_11 = vector.load %arg1[%get3A_8, %get3A_9, %get3A_10] : memref<2x10240x128xf32, #tpu.memory_space<vmem>>, vector<2x10240x128xf32>
    %slice3A_12 = vector.extract_strided_slice %get3A_11 {offsets = [0, 0, 0], sizes = [1, 10000, 128], strides = [1, 1, 1]} : vector<2x10240x128xf32> to vector<1x10000x128xf32>
    %squeeze3A_13 = vector.shape_cast %slice3A_12 : vector<1x10000x128xf32> to vector<10000x128xf32>
    %slice3A_14 = vector.extract_strided_slice %get3A_11 {offsets = [1, 0, 0], sizes = [1, 10000, 128], strides = [1, 1, 1]} : vector<2x10240x128xf32> to vector<1x10000x128xf32>
    %squeeze3A_15 = vector.shape_cast %slice3A_14 : vector<1x10000x128xf32> to vector<10000x128xf32>
    %add3A_16 = arith.addf %squeeze3A_13, %squeeze3A_15 : vector<10000x128xf32>
    %get3A_17 = arith.constant 0 : index
    %get3A_18 = arith.constant 0 : index
    %get3A_19 = vector.load %arg2[%get3A_17, %get3A_18] : memref<10000x128xf32, #tpu.memory_space<vmem>>, vector<10000x128xf32>
    %add3A_20 = arith.addf %add3A_16, %get3A_19 : vector<10000x128xf32>
    %mul3A = vector.broadcast %rsqrt3A : vector<10000x1xf32> to vector<10000x128xf32>
    %mul3A_21 = arith.mulf %mul3A, %add3A_20 : vector<10000x128xf32>
    %get3A_22 = arith.constant 0 : index
    %get3A_23 = vector.load %arg3[%get3A_22] : memref<128xf32, #tpu.memory_space<vmem>>, vector<128xf32>
    %broadcast_in_dim3A = vector.shape_cast %get3A_23 : vector<128xf32> to vector<1x128xf32>
    %add3A_24 = vector.broadcast %broadcast_in_dim3A : vector<1x128xf32> to vector<10000x128xf32>
    %add3A_25 = arith.addf %mul3A_21, %add3A_24 : vector<10000x128xf32>
    %swap3A = arith.constant 0 : index
    %swap3A_26 = arith.constant 0 : index
    %swap3A_27 = vector.load %arg4[%swap3A, %swap3A_26] : memref<10000x128xf32, #tpu.memory_space<vmem>>, vector<10000x128xf32>
    tpu.vector_store %arg4[%swap3A, %swap3A_26], %add3A_25 {strides = array<i32>} : memref<10000x128xf32, #tpu.memory_space<vmem>>, vector<10000x128xf32>,
    return
  }
}

</mosaic_0001>

<sc_bundles>
// kernel: kernel.11.cloned.1.call-start
scs
__scs_entry_jumppad:
0x0: {  	(pc) =	sbr.rel $0x88, $3  }
0x1: {  	(tag) =	ssettag $0x0;
	lr =	simm.s32 $0x1  }
0x2: {  	[smem:$0x3F9B] =	sst lr;
	_ =	strace $0xD0000000  }
0x3: {  	_ = 	snop  }
0x4: {  	_ = 	snop  }
0x5: {  	_ = 	snop  }
0x6: {  	_ = 	snop  }
0x7: {  	_ = 	snop  }
__scs_overlays_trampoline_lowered:
0x8: {  	[smem:$0x3FAA] =	sst s0  }
0x9: {  	[smem:$0x3FAB] =	sst s1  }
0xa: {  	[smem:$0x3FAC] =	sst s2  }
0xb: {  	[smem:$0x3FAD] =	sst s3  }
0xc: {  	[smem:$0x3FAE] =	sst s4  }
0xd: {  	[smem:$0x3FAF] =	sst s5  }
0xe: {  	[smem:$0x3FB0] =	sst s6  }
0xf: {  	[smem:$0x3FB1] =	sst s7  }
0x10: {  	[smem:$0x3FB2] =	sst s8  }
0x11: {  	[smem:$0x3FB3] =	sst s9;
	s0 =	simm.s32 @!p0 $0x0  }
0x12: {  	s1 =	sld [smem:$0x3F99];
	s0 =	simm.s32 @p0 $0x1  }
0x13: {  	[smem:$0x3FB4] =	sst s0;
	s0 =	simm.s32 @!p1 $0x0  }
0x14: {  	s2 =	sld [smem:$0x3F98];
	s0 =	simm.s32 @p1 $0x1  }
0x15: {  	[smem:$0x3FB5] =	sst s0;
	s0 =	simm.s32 @!p2 $0x0  }
0x16: {  	s3 =	sld [smem:$0x3FDB];
	s0 =	simm.s32 @p2 $0x1  }
0x17: {  	s4 =	simm.s32 $0x1BF5;
	[smem:$0x3FB7] =	sst s0  }
0x18: {  	s0 =	sld [smem:$0x3F9A];
	_ =	swait.ge [sflag:s4], $0x0  }
0x19: {  	s7 =	sld [smem:$0x3F9B]  }
0x1a: {  	s8 =	sadd.s32 $0xFFFFE003, lr  }
0x1b: {  	s9 =	sadd.s32 $0xFFFFFEF7, lr;
	s5 =	simm.s32 $0xFFFFFFFF;
	p2 =	slt.u32 s8, $0xFFFFF086  }
0x1c: {  	p1 =	slt.u32 s9, $0xF7A;
	s5 =	simm.s32 @!p2 $0x0  }
0x1d: {  	s5 =	simm.s32 @p1 $0x1;
	p0 =	seq.s32 s7, s2  }
0x1e: {  	s7 =	smul.u32 @!p0 $0xF7A, s2;
	p2 =	seq.s32 @!p0 s5, $0x0  }
0x1f: {  	s9 =	smul.u32 $0xF7A, s1;
	s8 =	simm.s32 @!p0 $0x1BF5;
	p2 =	por !p2, p0  }
0x20: {  	[sflag:s8] =	ssyncset.s32 @!p0 $0xFFFFF086;
	s6 =	sadd.s32 @!p0 s3, s7;
	s7 =	simm.s32 @!p0 $0x108  }
0x21: {  	s3 =	sadd.s32 s3, s9;
	s6 =	sadd.s32 @!p0 $0x88, s6;
	s7 =	simm.s32 @p2 $0x1082  }
0x22: {  	[simem:s7], [sflag:s8] =	dma.local @!p0 [hbm:s6], $0xF7A  }
0x23: {  	s9 =	sor.u32 $0xD0000000, s2;
	s6 =	simm.s32 $0x108;
	_ =	swait.ge @!p0 [sflag:s8], $0x0  }
0x24: {  	s3 =	sadd.s32 $0x88, s3;
	s6 =	simm.s32 @!p1 $0x1082;
	[sflag:s4] =	ssyncset.s32 $0xFFFFF086  }
0x25: {  	[simem:s6], [sflag:s4] =	dma.local [hbm:s3], $0xF7A  }
0x26: {  	[smem:$0x3F9B] =	sst s1;
	(tag) =	ssettag s2;
	_ =	strace s9  }
0x27: {  	s1 =	sld [smem:$0x3FAB]  }
0x28: {  	s2 =	sld [smem:$0x3FAC]  }
0x29: {  	s4 =	sld [smem:$0x3FAE]  }
0x2a: {  	p0 =	seq.s32 s5, $0x0;
	s5 =	sld [smem:$0x3FAF]  }
0x2b: {  	s6 =	sld [smem:$0x3FB0]  }
0x2c: {  	s7 =	sld [smem:$0x3FB1]  }
0x2d: {  	s3 =	simm.s32 $0x108;
	s8 =	sld [smem:$0x3FB2]  }
0x2e: {  	s3 =	simm.s32 @!p0 $0x1082;
	s9 =	sld [smem:$0x3FB3]  }
0x2f: {  	lr =	sadd.s32 s0, s3;
	s0 =	sld [smem:$0x3FAA]  }
0x30: {  	s3 =	sld [smem:$0x3FAD]  }
0x31: {  	[smem:$0x3FB6] =	sst s10  }
0x32: {  	s10 =	sld [smem:$0x3FB4];
	_ =	sdelay $0x3  }
0x33: {  	p0 =	seq.s32 s10, $0x1;
	s10 =	sld [smem:$0x3FB6];
	_ =	sdelay $0x3  }
0x34: {  	[smem:$0x3FB6] =	sst s10  }
0x35: {  	s10 =	sld [smem:$0x3FB5];
	_ =	sdelay $0x3  }
0x36: {  	p1 =	seq.s32 s10, $0x1;
	s10 =	sld [smem:$0x3FB6];
	_ =	sdelay $0x3  }
0x37: {  	[smem:$0x3FB6] =	sst s10  }
0x38: {  	s10 =	sld [smem:$0x3FB7]  }
0x39: {  	_ = 	snop;
	(pc) =	sbr.ind lr, $3  }
0x3a: {  	_ = 	snop  }
0x3b: {  	_ = 	snop  }
0x3c: {  	p2 =	seq.s32 s10, $0x1;
	s10 =	sld [smem:$0x3FB6]  }
0x3d: {  	_ =	shalt  }
0x3e: {  	_ =	shalt  }
0x3f: {  	_ =	shalt  }
0x40: {  	_ =	shalt  }
0x41: {  	_ =	shalt  }
0x42: {  	_ =	shalt  }
0x43: {  	_ =	shalt  }
0x44: {  	_ =	shalt  }
0x45: {  	_ =	shalt  }
0x46: {  	_ =	shalt  }
0x47: {  	_ =	shalt  }
0x48: {  	_ =	shalt  }
0x49: {  	_ =	shalt  }
0x4a: {  	_ =	shalt  }
0x4b: {  	_ =	shalt  }
0x4c: {  	_ =	shalt  }
0x4d: {  	_ =	shalt  }
0x4e: {  	_ =	shalt  }
0x4f: {  	_ =	shalt  }
0x50: {  	_ =	shalt  }
0x51: {  	_ =	shalt  }
0x52: {  	_ =	shalt  }
0x53: {  	_ =	shalt  }
0x54: {  	_ =	shalt  }
0x55: {  	_ =	shalt  }
0x56: {  	_ =	shalt  }
0x57: {  	_ =	shalt  }
0x58: {  	_ =	shalt  }
0x59: {  	_ =	shalt  }
0x5a: {  	_ =	shalt  }
0x5b: {  	_ =	shalt  }
0x5c: {  	_ =	shalt  }
0x5d: {  	_ =	shalt  }
0x5e: {  	_ =	shalt  }
0x5f: {  	_ =	shalt  }
0x60: {  	_ =	shalt  }
0x61: {  	_ =	shalt  }
0x62: {  	_ =	shalt  }
0x63: {  	_ =	shalt  }
0x64: {  	_ =	shalt  }
0x65: {  	_ =	shalt  }
0x66: {  	_ =	shalt  }
0x67: {  	_ =	shalt  }
0x68: {  	_ =	shalt  }
0x69: {  	_ =	shalt  }
0x6a: {  	_ =	shalt  }
0x6b: {  	_ =	shalt  }
0x6c: {  	_ =	shalt  }
0x6d: {  	_ =	shalt  }
0x6e: {  	_ =	shalt  }
0x6f: {  	_ =	shalt  }
0x70: {  	_ =	shalt  }
0x71: {  	_ =	shalt  }
0x72: {  	_ =	shalt  }
0x73: {  	_ =	shalt  }
0x74: {  	_ =	shalt  }
0x75: {  	_ =	shalt  }
0x76: {  	_ =	shalt  }
0x77: {  	_ =	shalt  }
0x78: {  	_ =	shalt  }
0x79: {  	_ =	shalt  }
0x7a: {  	_ =	shalt  }
0x7b: {  	_ =	shalt  }
0x7c: {  	_ =	shalt  }
0x7d: {  	_ =	shalt  }
0x7e: {  	_ =	shalt  }
0x7f: {  	_ =	shalt  }
0x80: {  	_ =	shalt  }
0x81: {  	_ =	shalt  }
0x82: {  	_ =	shalt  }
0x83: {  	_ =	shalt  }
0x84: {  	_ =	shalt  }
0x85: {  	_ =	shalt  }
0x86: {  	_ =	shalt  }
0x87: {  	_ =	shalt  }
.Lfunc_end0:
.L_simem_size_0:
called_computation.1_lowered:
.L_overlay_start_0:
0x88: {  	s2 =	sld [smem:$0x3FD9]  }
0x89: {  	s3 =	sld [smem:$0x3FFE];
	_ =	sdelay $0x1  }
0x8a: {  	s1 =	srdreg.scid  }
0x8b: {  	s0 =	sand.u32 $0x1, s1  }
0x8c: {  	s17 =	sshll.u32 s0, $0xA;
	s2 =	sadd.s32 s3, s2  }
0x8d: {  	s2 =	sadd.s32 s2, s17  }
0x8e: {  	[smem:$0x3FC2] =	sst s2  }
0x8f: {  	_ = 	snop  }
0x90: {  	s2 =	sld [smem:$0x3FD0];
	(tm) =	ssettm $0x1  }
0x91: {  	s18 =	sld [smem:$0x3FFB];
	_ =	sdelay $0x3  }
0x92: {  	_ =	strace s18  }
0x93: {  	s3 =	sld [smem:$0x3FFC];
	_ =	sdelay $0x3  }
0x94: {  	_ =	strace s3  }
0x95: {  	s3 =	sld [smem:$0x3FFD];
	_ =	sdelay $0x3  }
0x96: {  	_ =	strace s3  }
0x97: {  	_ =	strace $0x8FFFFFFF  }
0x98: {  	s19 =	sld [smem:$0x3FDB];
	_ =	sdelay $0x1  }
0x99: {  	s4 =	simm.s32 $_scs_section_size  }
0x9a: {  	s5 =	simm.s32 $_size__tile_overlayer_lowered;
	s6 =	simm.s32 $_tile_overlayer_lowered  }
0x9b: {  	s22 =	simm.s32 $0x1BFF;
	s21 =	sshll.u32 s6, $0x1;
	s3 =	sadd.s32 s4, s19  }
0x9c: {  	s7 =	simm.s32 $0x0;
	s20 =	sshll.u32 s5, $0x1;
	s5 =	sadd.s32 s21, s3  }
0x9d: {  	[timem:s7], [sflag:s22] =	dma.local [hbm:s5], s20  }
0x9e: {  	_ =	swait.ge [sflag:s22], s20  }
0x9f: {  	s4 =	ssub.s32 $0x0, s20;
	[sflag:s22] =	ssyncset.done $0x0  }
0xa0: {  	[sflag:s22] =	ssyncadd.s32 s4;
	_ =	sdelay $0x1  }
0xa1: {  	s23 =	simm.s32 $0x1B8B  }
0xa2: {  	_ =	swait.ge [sflag:s23], $0x1  }
0xa3: {  	[sflag:s23] =	ssyncset.done $0x0  }
0xa4: {  	s25 =	simm.s32 $0x1B8E;
	s24 =	sld [smem:$0x3FFE];
	[sflag:s23] =	ssyncadd.s32 $0xFFFFFFFF  }
0xa5: {  	s26 =	simm.s32 $execute0_lowered;
	[smem:$0x3FD2] =	sst s25  }
0xa6: {  	s5 =	sshll.u32 s26, $0x1;
	_ =	strace $0x80000049;
	[dreg:$0x1] =	wrdreg $0xFFFFFFFF  }
0xa7: {  	s28 =	simm.s32 $_size_execute0_lowered;
	s3 =	sadd.s32 s3, s5;
	[dreg:$0x0] =	wrdreg $0x0  }
0xa8: {  	s5 =	sshll.u32 s28, $0x1;
	[dreg:$0x2] =	wrdreg s3  }
0xa9: {  	[dreg:$0x3] =	wrdreg s5  }
0xaa: {  	[dreg:$0x4] =	wrdreg $0xC0  }
0xab: {  	_ =	task [dreg:s7], $0x5FFFF  }
0xac: {  	[dreg:$0x1] =	wrdreg $0xFFFFFFFF  }
0xad: {  	[dreg:$0x0] =	wrdreg $0x60  }
0xae: {  	[dreg:$0x2] =	wrdreg s2  }
0xaf: {  	[dreg:$0x3] =	wrdreg s24  }
0xb0: {  	[dreg:$0x4] =	wrdreg $0x50000  }
0xb1: {  	[dreg:$0x5] =	wrdreg $0x9  }
0xb2: {  	_ =	task.clear_ibuf [dreg:s7], $0x6FFFF;
	_ =	strace $0x90000049  }
0xb3: {  	s29 =	simm.s32 $0x9;
	_ =	strace $0x8000004B  }
0xb4: {  	_ =	swait.ge [sflag:s29], $0x1  }
0xb5: {  	[sflag:s29] =	ssyncadd.s32 $0xFFFFFFFF  }
0xb6: {  	_ =	strace $0x9000004B  }
0xb7: {  	_ =	sfence  }
0xb8: {  	s30 =	sld [smem:$0x0];
	_ =	sdelay $0x2  }
0xb9: {  	s31 =	sshll.u32 s1, $0xD;
	s1 =	sshrl.u32 s1, $0x2  }
0xba: {  	s3 =	sand.u32 $0x4000, s31;
	s1 =	sadd.s32 s1, s30  }
0xbb: {  	s0 =	sor.u32 s3, s0;
	s1 =	sshll.u32 s1, $0x11  }
0xbc: {  	s0 =	sor.u32 s1, s0  }
0xbd: {  	s0 =	sadd.s32 $0x8F2B, s0  }
0xbe: {  	[sflag:s0] =	ssyncadd.remote.s32 $0x1  }
0xbf: {  	_ =	sfence.sel $0xFFFF  }
0xc0: {  	[dreg:$0x0] =	wrdreg $0xFFFFFFFF;
	(pc) =	sbr.abs _section_cstart, $3  }
0xc1: {  	[dreg:$0x1] =	wrdreg $0xFFFFFFFF  }
0xc2: {  	_ =	task.clear_ibuf [dreg:s7], $0x2FFFF;
	_ =	strace $0x9FFFFFFF  }
0xc3: {  	(tm) =	ssettm $0x7FFFFFFF  }
tec
execute0_lowered:
.L_overlay_start_1:
0x0: {  	(tag) =	ssettag $0x1  }
0x1: {  	s1 =	rddreg [dreg:$0x0]  }
0x2: {  	s8 =	rddreg [dreg:$0x1]  }
0x3: {  	s2 =	rddreg [dreg:$0x2];
	s3 =	srdreg.scid  }
0x4: {  	s0 =	rddreg [dreg:$0x3];
	s4 =	simm.s32 $0x0;
	s15 =	simm.s32 $0x80  }
0x5: {  	s16 =	simm.s32 $0x1000;
	s9 =	sand.u32 $0x1, s3;
	s3 =	stileid.u32  }
0x6: {  	s17 =	simm.s32 $0x1;
	[smem:$0x7FF] =	sst s4;
	s7 =	smul.u32 $0x140000, s9  }
0x7: {  	s5 =	sadd.s32 $0x5CC00, s8;
	s6 =	sadd.s32 $0x2400, s8;
	s10 =	smul.u32 $0x14000, s3  }
0x8: {  	_ =	strace $0x8000004A;
	s28 =	ssub.s32 $0x2, s9;
	s13 =	smul.u32 $0x50000, s3  }
0x9: {  	s29 =	sshll.u32 s3, $0x1;
	s31 =	sshll.u32 s3, $0x6;
	s12 =	sshrl.u32 s28, $0x1  }
0xa: {  	s9 =	sor.u32 s9, s29;
	s7 =	sadd.s32 s10, s7;
	s12 =	ssub.s32 s28, s12  }
0xb: {  	s30 =	sshrl.u32 s13, $0x2;
	s9 =	smul.u32 $0x5, s9;
	s11 =	sshrl.u32 s7, $0x3  }
0xc: {  	s13 =	simm.s32 $0x2;
	s7 =	sadd.s32 $0xC400, s8;
	s11 =	sadd.s32 s11, s8  }
0xd: {  	s14 =	sadd.s32 s30, s2;
	s8 =	sor.u32 $0x1C02, s31;
	s10 =	sadd.s32 $0x66C00, s11  }
0xe: {  	s11 =	smax.u32 s12, $0x1;
	s12 =	sshrl.u32 s14, $0x3;
	s14 =	simm.s32 $0x800  }
.LBB2_1:
0xf: {  	[spmem:s12], [sflag:s8] =	dma.local [hbm:s7], $0x2800  }
0x10: {  	_ =	swait.ge [sflag:s13], $0x2800  }
0x11: {  	[sflag:s13] =	ssyncset.done $0x0  }
0x12: {  	[sflag:s13] =	ssyncadd.s32 $0xFFFFD800  }
0x13: {  	s18 =	simm.s32 $0x0;
	[bflag:$0x0] =	sbarrier.arrive $0xFFFF  }
.LBB2_2:
0x14: {  	s19 =	sadd.s32 s9, s18  }
0x15: {  	s19 =	sshll.u32 s19, $0x8  }
0x16: {  	s21 =	simm.s32 $0x0;
	s20 =	sadd.s32 s5, s19  }
0x17: {  	[tilespmem:s21], [sflag:$0x2] =	stream.linear.gather [hbm4b:s20+s21], $0x800, $0x38;
	[tilespmem:$0x19000] =	vst v63  }
0x18: {  	_ =	swait.ge [sflag:s13], $0x800  }
0x19: {  	[sflag:s13] =	ssyncset.done $0x0  }
0x1a: {  	s19 =	sadd.s32 s6, s19;
	[sflag:s13] =	ssyncadd.s32 $0xFFFFF800  }
0x1b: {  	[tilespmem:s14], [sflag:$0x2] =	stream.linear.gather [hbm4b:s19+s21], $0x800, $0x38;
	[tilespmem:$0x19000] =	vst v63  }
0x1c: {  	_ =	swait.ge [sflag:s13], $0x800  }
0x1d: {  	[sflag:s13] =	ssyncset.done $0x0  }
0x1e: {  	s30 =	simm.s32 $0x0;
	[sflag:s13] =	ssyncadd.s32 $0xFFFFF800  }
0x1f: {  	[tilespmem:s16], [sflag:$0x1] =	stream.indirect.gather [hbm4b:s1+s15], $0x80, s30, s15, $0xb8;
	[tilespmem:$0x19000] =	vst v63  }
0x20: {  	_ =	swait.ge [sflag:s17], $0x4000  }
0x21: {  	[sflag:s17] =	ssyncset.done $0x0  }
0x22: {  	s31 =	simm.s32 $0x800;
	[sflag:s17] =	ssyncadd.s32 $0xFFFFC000  }
0x23: {  	[spmem:s2] =	stream.indirect.scatter.add.f32 [tilespmem:s16], [sflag:$0x2], $0x80, s31, s15, $0xb8;
	[tilespmem:$0x19000] =	vst v63  }
0x24: {  	_ =	swait.ge [sflag:s13], $0x4000  }
0x25: {  	s20 =	simm.s32 $0x400;
	s19 =	simm.s32 $0x200;
	[sflag:s13] =	ssyncset.done $0x0  }
.LBB2_3:
0x26: {  	s21 =	sshra.s32 s19, $0x2  }
0x27: {  	[sflag:s13] =	ssyncadd.s32 $0xFFFFC000;
	s19 =	smov.u32 s20;
	s22 =	sadd.s32 $0x200, s20  }
0x28: {  	[tilespmem:s16], [sflag:$0x1] =	stream.indirect.gather [hbm4b:s1+s15], $0x80, s21, s15, $0xb8;
	[tilespmem:$0x19000] =	vst v63  }
0x29: {  	p0 =	sne.s32 s20, $0x1E00;
	_ =	swait.ge [sflag:s17], $0x4000  }
.Ltmp0:
0x2a: {  	[sflag:s17] =	ssyncset.done $0x0;
	(pc) =	sbr.rel @p0 .LBB2_3-.Ltmp0, $4  }
0x2b: {  	s20 =	sadd.s32 $0x800, s21;
	[sflag:s17] =	ssyncadd.s32 $0xFFFFC000  }
0x2c: {  	[spmem:s2] =	stream.indirect.scatter.add.f32 [tilespmem:s16], [sflag:$0x2], $0x80, s20, s15, $0xb8;
	[tilespmem:$0x19000] =	vst v63  }
0x2d: {  	_ =	swait.ge [sflag:s13], $0x4000  }
0x2e: {  	s20 =	smov.u32 s22;
	[sflag:s13] =	ssyncset.done $0x0  }
0x2f: {  	s19 =	sshra.s32 s19, $0x2;
	[sflag:s13] =	ssyncadd.s32 $0xFFFFC000  }
0x30: {  	[tilespmem:s16], [sflag:$0x1] =	stream.indirect.gather [hbm4b:s1+s15], $0x80, s19, s15, $0xb8;
	[tilespmem:$0x19000] =	vst v63  }
0x31: {  	s18 =	sadd.s32 $0x1, s18;
	_ =	swait.ge [sflag:s17], $0x4000  }
0x32: {  	p0 =	sne.s32 s18, $0x5;
	[sflag:s17] =	ssyncset.done $0x0  }
.Ltmp1:
0x33: {  	s19 =	sadd.s32 $0x800, s19;
	[sflag:s17] =	ssyncadd.s32 $0xFFFFC000;
	(pc) =	sbr.rel @p0 .LBB2_2-.Ltmp1, $4  }
0x34: {  	[spmem:s2] =	stream.indirect.scatter.add.f32 [tilespmem:s16], [sflag:$0x2], $0x80, s19, s15, $0xb8;
	[tilespmem:$0x19000] =	vst v63  }
0x35: {  	_ =	swait.ge [sflag:s13], $0x4000  }
0x36: {  	[sflag:s13] =	ssyncset.done $0x0  }
0x37: {  	[sflag:s13] =	ssyncadd.s32 $0xFFFFC000  }
0x38: {  	s4 =	sadd.s32 $0x1, s4  }
0x39: {  	p0 =	sne.s32 s4, s11  }
.Ltmp2:
0x3a: {  	[bflag:$0x0] =	sbarrier.arrive $0xFFFF;
	(pc) =	sbr.rel @p0 .LBB2_1-.Ltmp2, $4  }
0x3b: {  	[hbm:s10], [sflag:s8] =	dma.local [spmem:s12], $0x2800  }
0x3c: {  	_ =	swait.ge [sflag:s13], $0x2800  }
0x3d: {  	[sflag:s13] =	ssyncset.done $0x0  }
0x3e: {  	[sflag:s13] =	ssyncadd.s32 $0xFFFFD800  }
0x3f: {  	_ =	sfence.sel $0x180000  }
0x40: {  	[bflag:$0x0] =	sbarrier.arrive $0xFFFF  }
0x41: {  	p0 =	sne.s32 s3, $0x0;
	_ =	strace $0x9000004A  }
0x42: {  	s0 =	sadd.s32 @!p0 $0x100000, s0;
	[bflag:$0x2] =	sbarrier.arrive $0xFFFF  }
0x43: {  	[sflag:s0] =	ssyncadd.tile.s32 @!p0 $0x1;
	_ =	shalt  }
.Lfunc_end2:
_tile_overlayer_lowered:
.L_overlay_start_2:
0x44: {  	(tag) =	ssettag $0x2  }
0x45: {  	s0 =	rddreg [dreg:$0x0];
	s2 =	stileid.u32  }
0x46: {  	s1 =	rddreg [dreg:$0x1];
	p0 =	sne.s32 s2, $0x0  }
0x47: {  	s3 =	rddreg [dreg:$0x2];
	[bflag:$0x3] =	sbarrier.arrive $0xFFFF;
	s2 =	simm.s32 @!p0 $0x1C02  }
0x48: {  	[timem:s3], [sflag:s2] =	dma.local @!p0 [hbm:s0], s1  }
0x49: {  	s0 =	simm.s32 @!p0 $0x2  }
0x4a: {  	_ =	swait.ge @!p0 [sflag:s0], s1  }
0x4b: {  	s1 =	ssub.s32 @!p0 $0x0, s1;
	[sflag:s0] =	ssyncset.done @!p0 $0x0  }
0x4c: {  	[sflag:s0] =	ssyncadd.s32 @!p0 s1  }
0x4d: {  	[bflag:$0x3] =	sbarrier.arrive $0xFFFF  }
0x4e: {  	_ =	shalt  }

// kernel: kernel.14.cloned.1.call-start
scs
__scs_entry_jumppad:
0x0: {  	(pc) =	sbr.rel $0x88, $3  }
0x1: {  	(tag) =	ssettag $0x0;
	lr =	simm.s32 $0x1  }
0x2: {  	[smem:$0x3F9B] =	sst lr;
	_ =	strace $0xD0000000  }
0x3: {  	_ = 	snop  }
0x4: {  	_ = 	snop  }
0x5: {  	_ = 	snop  }
0x6: {  	_ = 	snop  }
0x7: {  	_ = 	snop  }
__scs_overlays_trampoline_lowered:
0x8: {  	[smem:$0x3FAA] =	sst s0  }
0x9: {  	[smem:$0x3FAB] =	sst s1  }
0xa: {  	[smem:$0x3FAC] =	sst s2  }
0xb: {  	[smem:$0x3FAD] =	sst s3  }
0xc: {  	[smem:$0x3FAE] =	sst s4  }
0xd: {  	[smem:$0x3FAF] =	sst s5  }
0xe: {  	[smem:$0x3FB0] =	sst s6  }
0xf: {  	[smem:$0x3FB1] =	sst s7  }
0x10: {  	[smem:$0x3FB2] =	sst s8  }
0x11: {  	[smem:$0x3FB3] =	sst s9;
	s0 =	simm.s32 @!p0 $0x0  }
0x12: {  	s1 =	sld [smem:$0x3F99];
	s0 =	simm.s32 @p0 $0x1  }
0x13: {  	[smem:$0x3FB4] =	sst s0;
	s0 =	simm.s32 @!p1 $0x0  }
0x14: {  	s2 =	sld [smem:$0x3F98];
	s0 =	simm.s32 @p1 $0x1  }
0x15: {  	[smem:$0x3FB5] =	sst s0;
	s0 =	simm.s32 @!p2 $0x0  }
0x16: {  	s3 =	sld [smem:$0x3FDB];
	s0 =	simm.s32 @p2 $0x1  }
0x17: {  	s4 =	simm.s32 $0x1BF5;
	[smem:$0x3FB7] =	sst s0  }
0x18: {  	s0 =	sld [smem:$0x3F9A];
	_ =	swait.ge [sflag:s4], $0x0  }
0x19: {  	s7 =	sld [smem:$0x3F9B]  }
0x1a: {  	s8 =	sadd.s32 $0xFFFFE003, lr  }
0x1b: {  	s9 =	sadd.s32 $0xFFFFFEF7, lr;
	s5 =	simm.s32 $0xFFFFFFFF;
	p2 =	slt.u32 s8, $0xFFFFF086  }
0x1c: {  	p1 =	slt.u32 s9, $0xF7A;
	s5 =	simm.s32 @!p2 $0x0  }
0x1d: {  	s5 =	simm.s32 @p1 $0x1;
	p0 =	seq.s32 s7, s2  }
0x1e: {  	s7 =	smul.u32 @!p0 $0xF7A, s2;
	p2 =	seq.s32 @!p0 s5, $0x0  }
0x1f: {  	s9 =	smul.u32 $0xF7A, s1;
	s8 =	simm.s32 @!p0 $0x1BF5;
	p2 =	por !p2, p0  }
0x20: {  	[sflag:s8] =	ssyncset.s32 @!p0 $0xFFFFF086;
	s6 =	sadd.s32 @!p0 s3, s7;
	s7 =	simm.s32 @!p0 $0x108  }
0x21: {  	s3 =	sadd.s32 s3, s9;
	s6 =	sadd.s32 @!p0 $0x88, s6;
	s7 =	simm.s32 @p2 $0x1082  }
0x22: {  	[simem:s7], [sflag:s8] =	dma.local @!p0 [hbm:s6], $0xF7A  }
0x23: {  	s9 =	sor.u32 $0xD0000000, s2;
	s6 =	simm.s32 $0x108;
	_ =	swait.ge @!p0 [sflag:s8], $0x0  }
0x24: {  	s3 =	sadd.s32 $0x88, s3;
	s6 =	simm.s32 @!p1 $0x1082;
	[sflag:s4] =	ssyncset.s32 $0xFFFFF086  }
0x25: {  	[simem:s6], [sflag:s4] =	dma.local [hbm:s3], $0xF7A  }
0x26: {  	[smem:$0x3F9B] =	sst s1;
	(tag) =	ssettag s2;
	_ =	strace s9  }
0x27: {  	s1 =	sld [smem:$0x3FAB]  }
0x28: {  	s2 =	sld [smem:$0x3FAC]  }
0x29: {  	s4 =	sld [smem:$0x3FAE]  }
0x2a: {  	p0 =	seq.s32 s5, $0x0;
	s5 =	sld [smem:$0x3FAF]  }
0x2b: {  	s6 =	sld [smem:$0x3FB0]  }
0x2c: {  	s7 =	sld [smem:$0x3FB1]  }
0x2d: {  	s3 =	simm.s32 $0x108;
	s8 =	sld [smem:$0x3FB2]  }
0x2e: {  	s3 =	simm.s32 @!p0 $0x1082;
	s9 =	sld [smem:$0x3FB3]  }
0x2f: {  	lr =	sadd.s32 s0, s3;
	s0 =	sld [smem:$0x3FAA]  }
0x30: {  	s3 =	sld [smem:$0x3FAD]  }
0x31: {  	[smem:$0x3FB6] =	sst s10  }
0x32: {  	s10 =	sld [smem:$0x3FB4];
	_ =	sdelay $0x3  }
0x33: {  	p0 =	seq.s32 s10, $0x1;
	s10 =	sld [smem:$0x3FB6];
	_ =	sdelay $0x3  }
0x34: {  	[smem:$0x3FB6] =	sst s10  }
0x35: {  	s10 =	sld [smem:$0x3FB5];
	_ =	sdelay $0x3  }
0x36: {  	p1 =	seq.s32 s10, $0x1;
	s10 =	sld [smem:$0x3FB6];
	_ =	sdelay $0x3  }
0x37: {  	[smem:$0x3FB6] =	sst s10  }
0x38: {  	s10 =	sld [smem:$0x3FB7]  }
0x39: {  	_ = 	snop;
	(pc) =	sbr.ind lr, $3  }
0x3a: {  	_ = 	snop  }
0x3b: {  	_ = 	snop  }
0x3c: {  	p2 =	seq.s32 s10, $0x1;
	s10 =	sld [smem:$0x3FB6]  }
0x3d: {  	_ =	shalt  }
0x3e: {  	_ =	shalt  }
0x3f: {  	_ =	shalt  }
0x40: {  	_ =	shalt  }
0x41: {  	_ =	shalt  }
0x42: {  	_ =	shalt  }
0x43: {  	_ =	shalt  }
0x44: {  	_ =	shalt  }
0x45: {  	_ =	shalt  }
0x46: {  	_ =	shalt  }
0x47: {  	_ =	shalt  }
0x48: {  	_ =	shalt  }
0x49: {  	_ =	shalt  }
0x4a: {  	_ =	shalt  }
0x4b: {  	_ =	shalt  }
0x4c: {  	_ =	shalt  }
0x4d: {  	_ =	shalt  }
0x4e: {  	_ =	shalt  }
0x4f: {  	_ =	shalt  }
0x50: {  	_ =	shalt  }
0x51: {  	_ =	shalt  }
0x52: {  	_ =	shalt  }
0x53: {  	_ =	shalt  }
0x54: {  	_ =	shalt  }
0x55: {  	_ =	shalt  }
0x56: {  	_ =	shalt  }
0x57: {  	_ =	shalt  }
0x58: {  	_ =	shalt  }
0x59: {  	_ =	shalt  }
0x5a: {  	_ =	shalt  }
0x5b: {  	_ =	shalt  }
0x5c: {  	_ =	shalt  }
0x5d: {  	_ =	shalt  }
0x5e: {  	_ =	shalt  }
0x5f: {  	_ =	shalt  }
0x60: {  	_ =	shalt  }
0x61: {  	_ =	shalt  }
0x62: {  	_ =	shalt  }
0x63: {  	_ =	shalt  }
0x64: {  	_ =	shalt  }
0x65: {  	_ =	shalt  }
0x66: {  	_ =	shalt  }
0x67: {  	_ =	shalt  }
0x68: {  	_ =	shalt  }
0x69: {  	_ =	shalt  }
0x6a: {  	_ =	shalt  }
0x6b: {  	_ =	shalt  }
0x6c: {  	_ =	shalt  }
0x6d: {  	_ =	shalt  }
0x6e: {  	_ =	shalt  }
0x6f: {  	_ =	shalt  }
0x70: {  	_ =	shalt  }
0x71: {  	_ =	shalt  }
0x72: {  	_ =	shalt  }
0x73: {  	_ =	shalt  }
0x74: {  	_ =	shalt  }
0x75: {  	_ =	shalt  }
0x76: {  	_ =	shalt  }
0x77: {  	_ =	shalt  }
0x78: {  	_ =	shalt  }
0x79: {  	_ =	shalt  }
0x7a: {  	_ =	shalt  }
0x7b: {  	_ =	shalt  }
0x7c: {  	_ =	shalt  }
0x7d: {  	_ =	shalt  }
0x7e: {  	_ =	shalt  }
0x7f: {  	_ =	shalt  }
0x80: {  	_ =	shalt  }
0x81: {  	_ =	shalt  }
0x82: {  	_ =	shalt  }
0x83: {  	_ =	shalt  }
0x84: {  	_ =	shalt  }
0x85: {  	_ =	shalt  }
0x86: {  	_ =	shalt  }
0x87: {  	_ =	shalt  }
.Lfunc_end0:
.L_simem_size_0:
called_computation.2_lowered:
.L_overlay_start_0:
0x88: {  	s2 =	sld [smem:$0x3FD9]  }
0x89: {  	s3 =	sld [smem:$0x3FFE];
	_ =	sdelay $0x1  }
0x8a: {  	s1 =	srdreg.scid  }
0x8b: {  	s0 =	sand.u32 $0x1, s1  }
0x8c: {  	s17 =	sshll.u32 s0, $0xA;
	s2 =	sadd.s32 s3, s2  }
0x8d: {  	s2 =	sadd.s32 s2, s17  }
0x8e: {  	[smem:$0x3FC2] =	sst s2  }
0x8f: {  	_ = 	snop  }
0x90: {  	s2 =	sld [smem:$0x3FD0];
	(tm) =	ssettm $0x1  }
0x91: {  	s18 =	sld [smem:$0x3FFB];
	_ =	sdelay $0x3  }
0x92: {  	_ =	strace s18  }
0x93: {  	s3 =	sld [smem:$0x3FFC];
	_ =	sdelay $0x3  }
0x94: {  	_ =	strace s3  }
0x95: {  	s3 =	sld [smem:$0x3FFD];
	_ =	sdelay $0x3  }
0x96: {  	_ =	strace s3  }
0x97: {  	_ =	strace $0x8FFFFFFF  }
0x98: {  	s19 =	sld [smem:$0x3FDB];
	_ =	sdelay $0x1  }
0x99: {  	s4 =	simm.s32 $_scs_section_size  }
0x9a: {  	s5 =	simm.s32 $_size__tile_overlayer_lowered;
	s6 =	simm.s32 $_tile_overlayer_lowered  }
0x9b: {  	s22 =	simm.s32 $0x1BFF;
	s21 =	sshll.u32 s6, $0x1;
	s3 =	sadd.s32 s4, s19  }
0x9c: {  	s7 =	simm.s32 $0x0;
	s20 =	sshll.u32 s5, $0x1;
	s5 =	sadd.s32 s21, s3  }
0x9d: {  	[timem:s7], [sflag:s22] =	dma.local [hbm:s5], s20  }
0x9e: {  	_ =	swait.ge [sflag:s22], s20  }
0x9f: {  	s4 =	ssub.s32 $0x0, s20;
	[sflag:s22] =	ssyncset.done $0x0  }
0xa0: {  	[sflag:s22] =	ssyncadd.s32 s4;
	_ =	sdelay $0x1  }
0xa1: {  	s23 =	simm.s32 $0x1B8B  }
0xa2: {  	_ =	swait.ge [sflag:s23], $0x1  }
0xa3: {  	[sflag:s23] =	ssyncset.done $0x0  }
0xa4: {  	s25 =	simm.s32 $0x1B8E;
	s24 =	sld [smem:$0x3FFE];
	[sflag:s23] =	ssyncadd.s32 $0xFFFFFFFF  }
0xa5: {  	s26 =	simm.s32 $execute0_lowered;
	[smem:$0x3FD2] =	sst s25  }
0xa6: {  	s5 =	sshll.u32 s26, $0x1;
	_ =	strace $0x8000004C;
	[dreg:$0x1] =	wrdreg $0xFFFFFFFF  }
0xa7: {  	s28 =	simm.s32 $_size_execute0_lowered;
	s3 =	sadd.s32 s3, s5;
	[dreg:$0x0] =	wrdreg $0x0  }
0xa8: {  	s5 =	sshll.u32 s28, $0x1;
	[dreg:$0x2] =	wrdreg s3  }
0xa9: {  	[dreg:$0x3] =	wrdreg s5  }
0xaa: {  	[dreg:$0x4] =	wrdreg $0xC0  }
0xab: {  	_ =	task [dreg:s7], $0x5FFFF  }
0xac: {  	[dreg:$0x1] =	wrdreg $0xFFFFFFFF  }
0xad: {  	[dreg:$0x0] =	wrdreg $0x60  }
0xae: {  	[dreg:$0x2] =	wrdreg s2  }
0xaf: {  	[dreg:$0x3] =	wrdreg s24  }
0xb0: {  	[dreg:$0x4] =	wrdreg $0x50000  }
0xb1: {  	[dreg:$0x5] =	wrdreg $0x9  }
0xb2: {  	_ =	task.clear_ibuf [dreg:s7], $0x6FFFF;
	_ =	strace $0x9000004C  }
0xb3: {  	s29 =	simm.s32 $0x9;
	_ =	strace $0x8000004E  }
0xb4: {  	_ =	swait.ge [sflag:s29], $0x1  }
0xb5: {  	[sflag:s29] =	ssyncadd.s32 $0xFFFFFFFF  }
0xb6: {  	_ =	strace $0x9000004E  }
0xb7: {  	_ =	sfence  }
0xb8: {  	s30 =	sld [smem:$0x0];
	_ =	sdelay $0x2  }
0xb9: {  	s31 =	sshll.u32 s1, $0xD;
	s1 =	sshrl.u32 s1, $0x2  }
0xba: {  	s3 =	sand.u32 $0x4000, s31;
	s1 =	sadd.s32 s1, s30  }
0xbb: {  	s0 =	sor.u32 s3, s0;
	s1 =	sshll.u32 s1, $0x11  }
0xbc: {  	s0 =	sor.u32 s1, s0  }
0xbd: {  	s0 =	sadd.s32 $0x8F2B, s0  }
0xbe: {  	[sflag:s0] =	ssyncadd.remote.s32 $0x1  }
0xbf: {  	_ =	sfence.sel $0xFFFF  }
0xc0: {  	[dreg:$0x0] =	wrdreg $0xFFFFFFFF;
	(pc) =	sbr.abs _section_cstart, $3  }
0xc1: {  	[dreg:$0x1] =	wrdreg $0xFFFFFFFF  }
0xc2: {  	_ =	task.clear_ibuf [dreg:s7], $0x2FFFF;
	_ =	strace $0x9FFFFFFF  }
0xc3: {  	(tm) =	ssettm $0x7FFFFFFF  }
tec
execute0_lowered:
.L_overlay_start_1:
0x0: {  	(tag) =	ssettag $0x1  }
0x1: {  	s1 =	rddreg [dreg:$0x0]  }
0x2: {  	s8 =	rddreg [dreg:$0x1]  }
0x3: {  	s2 =	rddreg [dreg:$0x2];
	s3 =	srdreg.scid  }
0x4: {  	s0 =	rddreg [dreg:$0x3];
	s4 =	simm.s32 $0x0;
	s15 =	simm.s32 $0x80  }
0x5: {  	s16 =	simm.s32 $0x1000;
	s9 =	sand.u32 $0x1, s3;
	s3 =	stileid.u32  }
0x6: {  	s17 =	simm.s32 $0x1;
	[smem:$0x7FF] =	sst s4;
	s7 =	smul.u32 $0x140000, s9  }
0x7: {  	s5 =	sadd.s32 $0x5CC00, s8;
	s6 =	sadd.s32 $0x2400, s8;
	s10 =	smul.u32 $0x14000, s3  }
0x8: {  	_ =	strace $0x8000004D;
	s28 =	ssub.s32 $0x2, s9;
	s13 =	smul.u32 $0x50000, s3  }
0x9: {  	s29 =	sshll.u32 s3, $0x1;
	s31 =	sshll.u32 s3, $0x6;
	s12 =	sshrl.u32 s28, $0x1  }
0xa: {  	s9 =	sor.u32 s9, s29;
	s7 =	sadd.s32 s10, s7;
	s12 =	ssub.s32 s28, s12  }
0xb: {  	s30 =	sshrl.u32 s13, $0x2;
	s9 =	smul.u32 $0x5, s9;
	s11 =	sshrl.u32 s7, $0x3  }
0xc: {  	s13 =	simm.s32 $0x2;
	s7 =	sadd.s32 $0xC400, s8;
	s11 =	sadd.s32 s11, s8  }
0xd: {  	s14 =	sadd.s32 s30, s2;
	s8 =	sor.u32 $0x1C02, s31;
	s10 =	sadd.s32 $0x66C00, s11  }
0xe: {  	s11 =	smax.u32 s12, $0x1;
	s12 =	sshrl.u32 s14, $0x3;
	s14 =	simm.s32 $0x800  }
.LBB2_1:
0xf: {  	[spmem:s12], [sflag:s8] =	dma.local [hbm:s7], $0x2800  }
0x10: {  	_ =	swait.ge [sflag:s13], $0x2800  }
0x11: {  	[sflag:s13] =	ssyncset.done $0x0  }
0x12: {  	[sflag:s13] =	ssyncadd.s32 $0xFFFFD800  }
0x13: {  	s18 =	simm.s32 $0x0;
	[bflag:$0x0] =	sbarrier.arrive $0xFFFF  }
.LBB2_2:
0x14: {  	s19 =	sadd.s32 s9, s18  }
0x15: {  	s19 =	sshll.u32 s19, $0x8  }
0x16: {  	s21 =	simm.s32 $0x0;
	s20 =	sadd.s32 s5, s19  }
0x17: {  	[tilespmem:s21], [sflag:$0x2] =	stream.linear.gather [hbm4b:s20+s21], $0x800, $0x38;
	[tilespmem:$0x19000] =	vst v63  }
0x18: {  	_ =	swait.ge [sflag:s13], $0x800  }
0x19: {  	[sflag:s13] =	ssyncset.done $0x0  }
0x1a: {  	s19 =	sadd.s32 s6, s19;
	[sflag:s13] =	ssyncadd.s32 $0xFFFFF800  }
0x1b: {  	[tilespmem:s14], [sflag:$0x2] =	stream.linear.gather [hbm4b:s19+s21], $0x800, $0x38;
	[tilespmem:$0x19000] =	vst v63  }
0x1c: {  	_ =	swait.ge [sflag:s13], $0x800  }
0x1d: {  	[sflag:s13] =	ssyncset.done $0x0  }
0x1e: {  	s30 =	simm.s32 $0x0;
	[sflag:s13] =	ssyncadd.s32 $0xFFFFF800  }
0x1f: {  	[tilespmem:s16], [sflag:$0x1] =	stream.indirect.gather [hbm4b:s1+s15], $0x80, s30, s15, $0xb8;
	[tilespmem:$0x19000] =	vst v63  }
0x20: {  	_ =	swait.ge [sflag:s17], $0x4000  }
0x21: {  	[sflag:s17] =	ssyncset.done $0x0  }
0x22: {  	s31 =	simm.s32 $0x800;
	[sflag:s17] =	ssyncadd.s32 $0xFFFFC000  }
0x23: {  	[spmem:s2] =	stream.indirect.scatter.add.f32 [tilespmem:s16], [sflag:$0x2], $0x80, s31, s15, $0xb8;
	[tilespmem:$0x19000] =	vst v63  }
0x24: {  	_ =	swait.ge [sflag:s13], $0x4000  }
0x25: {  	s20 =	simm.s32 $0x400;
	s19 =	simm.s32 $0x200;
	[sflag:s13] =	ssyncset.done $0x0  }
.LBB2_3:
0x26: {  	s21 =	sshra.s32 s19, $0x2  }
0x27: {  	[sflag:s13] =	ssyncadd.s32 $0xFFFFC000;
	s19 =	smov.u32 s20;
	s22 =	sadd.s32 $0x200, s20  }
0x28: {  	[tilespmem:s16], [sflag:$0x1] =	stream.indirect.gather [hbm4b:s1+s15], $0x80, s21, s15, $0xb8;
	[tilespmem:$0x19000] =	vst v63  }
0x29: {  	p0 =	sne.s32 s20, $0x1E00;
	_ =	swait.ge [sflag:s17], $0x4000  }
.Ltmp0:
0x2a: {  	[sflag:s17] =	ssyncset.done $0x0;
	(pc) =	sbr.rel @p0 .LBB2_3-.Ltmp0, $4  }
0x2b: {  	s20 =	sadd.s32 $0x800, s21;
	[sflag:s17] =	ssyncadd.s32 $0xFFFFC000  }
0x2c: {  	[spmem:s2] =	stream.indirect.scatter.add.f32 [tilespmem:s16], [sflag:$0x2], $0x80, s20, s15, $0xb8;
	[tilespmem:$0x19000] =	vst v63  }
0x2d: {  	_ =	swait.ge [sflag:s13], $0x4000  }
0x2e: {  	s20 =	smov.u32 s22;
	[sflag:s13] =	ssyncset.done $0x0  }
0x2f: {  	s19 =	sshra.s32 s19, $0x2;
	[sflag:s13] =	ssyncadd.s32 $0xFFFFC000  }
0x30: {  	[tilespmem:s16], [sflag:$0x1] =	stream.indirect.gather [hbm4b:s1+s15], $0x80, s19, s15, $0xb8;
	[tilespmem:$0x19000] =	vst v63  }
0x31: {  	s18 =	sadd.s32 $0x1, s18;
	_ =	swait.ge [sflag:s17], $0x4000  }
0x32: {  	p0 =	sne.s32 s18, $0x5;
	[sflag:s17] =	ssyncset.done $0x0  }
.Ltmp1:
0x33: {  	s19 =	sadd.s32 $0x800, s19;
	[sflag:s17] =	ssyncadd.s32 $0xFFFFC000;
	(pc) =	sbr.rel @p0 .LBB2_2-.Ltmp1, $4  }
0x34: {  	[spmem:s2] =	stream.indirect.scatter.add.f32 [tilespmem:s16], [sflag:$0x2], $0x80, s19, s15, $0xb8;
	[tilespmem:$0x19000] =	vst v63  }
0x35: {  	_ =	swait.ge [sflag:s13], $0x4000  }
0x36: {  	[sflag:s13] =	ssyncset.done $0x0  }
0x37: {  	[sflag:s13] =	ssyncadd.s32 $0xFFFFC000  }
0x38: {  	s4 =	sadd.s32 $0x1, s4  }
0x39: {  	p0 =	sne.s32 s4, s11  }
.Ltmp2:
0x3a: {  	[bflag:$0x0] =	sbarrier.arrive $0xFFFF;
	(pc) =	sbr.rel @p0 .LBB2_1-.Ltmp2, $4  }
0x3b: {  	[hbm:s10], [sflag:s8] =	dma.local [spmem:s12], $0x2800  }
0x3c: {  	_ =	swait.ge [sflag:s13], $0x2800  }
0x3d: {  	[sflag:s13] =	ssyncset.done $0x0  }
0x3e: {  	[sflag:s13] =	ssyncadd.s32 $0xFFFFD800  }
0x3f: {  	_ =	sfence.sel $0x180000  }
0x40: {  	[bflag:$0x0] =	sbarrier.arrive $0xFFFF  }
0x41: {  	p0 =	sne.s32 s3, $0x0;
	_ =	strace $0x9000004D  }
0x42: {  	s0 =	sadd.s32 @!p0 $0x100000, s0;
	[bflag:$0x2] =	sbarrier.arrive $0xFFFF  }
0x43: {  	[sflag:s0] =	ssyncadd.tile.s32 @!p0 $0x1;
	_ =	shalt  }
.Lfunc_end2:
_tile_overlayer_lowered:
.L_overlay_start_2:
0x44: {  	(tag) =	ssettag $0x2  }
0x45: {  	s0 =	rddreg [dreg:$0x0];
	s2 =	stileid.u32  }
0x46: {  	s1 =	rddreg [dreg:$0x1];
	p0 =	sne.s32 s2, $0x0  }
0x47: {  	s3 =	rddreg [dreg:$0x2];
	[bflag:$0x3] =	sbarrier.arrive $0xFFFF;
	s2 =	simm.s32 @!p0 $0x1C02  }
0x48: {  	[timem:s3], [sflag:s2] =	dma.local @!p0 [hbm:s0], s1  }
0x49: {  	s0 =	simm.s32 @!p0 $0x2  }
0x4a: {  	_ =	swait.ge @!p0 [sflag:s0], s1  }
0x4b: {  	s1 =	ssub.s32 @!p0 $0x0, s1;
	[sflag:s0] =	ssyncset.done @!p0 $0x0  }
0x4c: {  	[sflag:s0] =	ssyncadd.s32 @!p0 s1  }
0x4d: {  	[bflag:$0x3] =	sbarrier.arrive $0xFFFF  }
0x4e: {  	_ =	shalt  }

// kernel: kernel.8.cloned.1.call-start
scs
__scs_entry_jumppad:
0x0: {  	(pc) =	sbr.rel $0x88, $3  }
0x1: {  	(tag) =	ssettag $0x0;
	lr =	simm.s32 $0x1  }
0x2: {  	[smem:$0x3F9B] =	sst lr;
	_ =	strace $0xD0000000  }
0x3: {  	_ = 	snop  }
0x4: {  	_ = 	snop  }
0x5: {  	_ = 	snop  }
0x6: {  	_ = 	snop  }
0x7: {  	_ = 	snop  }
__scs_overlays_trampoline_lowered:
0x8: {  	[smem:$0x3FAA] =	sst s0  }
0x9: {  	[smem:$0x3FAB] =	sst s1  }
0xa: {  	[smem:$0x3FAC] =	sst s2  }
0xb: {  	[smem:$0x3FAD] =	sst s3  }
0xc: {  	[smem:$0x3FAE] =	sst s4  }
0xd: {  	[smem:$0x3FAF] =	sst s5  }
0xe: {  	[smem:$0x3FB0] =	sst s6  }
0xf: {  	[smem:$0x3FB1] =	sst s7  }
0x10: {  	[smem:$0x3FB2] =	sst s8  }
0x11: {  	[smem:$0x3FB3] =	sst s9;
	s0 =	simm.s32 @!p0 $0x0  }
0x12: {  	s1 =	sld [smem:$0x3F99];
	s0 =	simm.s32 @p0 $0x1  }
0x13: {  	[smem:$0x3FB4] =	sst s0;
	s0 =	simm.s32 @!p1 $0x0  }
0x14: {  	s2 =	sld [smem:$0x3F98];
	s0 =	simm.s32 @p1 $0x1  }
0x15: {  	[smem:$0x3FB5] =	sst s0;
	s0 =	simm.s32 @!p2 $0x0  }
0x16: {  	s3 =	sld [smem:$0x3FDB];
	s0 =	simm.s32 @p2 $0x1  }
0x17: {  	s4 =	simm.s32 $0x1BF5;
	[smem:$0x3FB7] =	sst s0  }
0x18: {  	s0 =	sld [smem:$0x3F9A];
	_ =	swait.ge [sflag:s4], $0x0  }
0x19: {  	s7 =	sld [smem:$0x3F9B]  }
0x1a: {  	s8 =	sadd.s32 $0xFFFFE003, lr  }
0x1b: {  	s9 =	sadd.s32 $0xFFFFFEF7, lr;
	s5 =	simm.s32 $0xFFFFFFFF;
	p2 =	slt.u32 s8, $0xFFFFF086  }
0x1c: {  	p1 =	slt.u32 s9, $0xF7A;
	s5 =	simm.s32 @!p2 $0x0  }
0x1d: {  	s5 =	simm.s32 @p1 $0x1;
	p0 =	seq.s32 s7, s2  }
0x1e: {  	s7 =	smul.u32 @!p0 $0xF7A, s2;
	p2 =	seq.s32 @!p0 s5, $0x0  }
0x1f: {  	s9 =	smul.u32 $0xF7A, s1;
	s8 =	simm.s32 @!p0 $0x1BF5;
	p2 =	por !p2, p0  }
0x20: {  	[sflag:s8] =	ssyncset.s32 @!p0 $0xFFFFF086;
	s6 =	sadd.s32 @!p0 s3, s7;
	s7 =	simm.s32 @!p0 $0x108  }
0x21: {  	s3 =	sadd.s32 s3, s9;
	s6 =	sadd.s32 @!p0 $0x88, s6;
	s7 =	simm.s32 @p2 $0x1082  }
0x22: {  	[simem:s7], [sflag:s8] =	dma.local @!p0 [hbm:s6], $0xF7A  }
0x23: {  	s9 =	sor.u32 $0xD0000000, s2;
	s6 =	simm.s32 $0x108;
	_ =	swait.ge @!p0 [sflag:s8], $0x0  }
0x24: {  	s3 =	sadd.s32 $0x88, s3;
	s6 =	simm.s32 @!p1 $0x1082;
	[sflag:s4] =	ssyncset.s32 $0xFFFFF086  }
0x25: {  	[simem:s6], [sflag:s4] =	dma.local [hbm:s3], $0xF7A  }
0x26: {  	[smem:$0x3F9B] =	sst s1;
	(tag) =	ssettag s2;
	_ =	strace s9  }
0x27: {  	s1 =	sld [smem:$0x3FAB]  }
0x28: {  	s2 =	sld [smem:$0x3FAC]  }
0x29: {  	s4 =	sld [smem:$0x3FAE]  }
0x2a: {  	p0 =	seq.s32 s5, $0x0;
	s5 =	sld [smem:$0x3FAF]  }
0x2b: {  	s6 =	sld [smem:$0x3FB0]  }
0x2c: {  	s7 =	sld [smem:$0x3FB1]  }
0x2d: {  	s3 =	simm.s32 $0x108;
	s8 =	sld [smem:$0x3FB2]  }
0x2e: {  	s3 =	simm.s32 @!p0 $0x1082;
	s9 =	sld [smem:$0x3FB3]  }
0x2f: {  	lr =	sadd.s32 s0, s3;
	s0 =	sld [smem:$0x3FAA]  }
0x30: {  	s3 =	sld [smem:$0x3FAD]  }
0x31: {  	[smem:$0x3FB6] =	sst s10  }
0x32: {  	s10 =	sld [smem:$0x3FB4];
	_ =	sdelay $0x3  }
0x33: {  	p0 =	seq.s32 s10, $0x1;
	s10 =	sld [smem:$0x3FB6];
	_ =	sdelay $0x3  }
0x34: {  	[smem:$0x3FB6] =	sst s10  }
0x35: {  	s10 =	sld [smem:$0x3FB5];
	_ =	sdelay $0x3  }
0x36: {  	p1 =	seq.s32 s10, $0x1;
	s10 =	sld [smem:$0x3FB6];
	_ =	sdelay $0x3  }
0x37: {  	[smem:$0x3FB6] =	sst s10  }
0x38: {  	s10 =	sld [smem:$0x3FB7]  }
0x39: {  	_ = 	snop;
	(pc) =	sbr.ind lr, $3  }
0x3a: {  	_ = 	snop  }
0x3b: {  	_ = 	snop  }
0x3c: {  	p2 =	seq.s32 s10, $0x1;
	s10 =	sld [smem:$0x3FB6]  }
0x3d: {  	_ =	shalt  }
0x3e: {  	_ =	shalt  }
0x3f: {  	_ =	shalt  }
0x40: {  	_ =	shalt  }
0x41: {  	_ =	shalt  }
0x42: {  	_ =	shalt  }
0x43: {  	_ =	shalt  }
0x44: {  	_ =	shalt  }
0x45: {  	_ =	shalt  }
0x46: {  	_ =	shalt  }
0x47: {  	_ =	shalt  }
0x48: {  	_ =	shalt  }
0x49: {  	_ =	shalt  }
0x4a: {  	_ =	shalt  }
0x4b: {  	_ =	shalt  }
0x4c: {  	_ =	shalt  }
0x4d: {  	_ =	shalt  }
0x4e: {  	_ =	shalt  }
0x4f: {  	_ =	shalt  }
0x50: {  	_ =	shalt  }
0x51: {  	_ =	shalt  }
0x52: {  	_ =	shalt  }
0x53: {  	_ =	shalt  }
0x54: {  	_ =	shalt  }
0x55: {  	_ =	shalt  }
0x56: {  	_ =	shalt  }
0x57: {  	_ =	shalt  }
0x58: {  	_ =	shalt  }
0x59: {  	_ =	shalt  }
0x5a: {  	_ =	shalt  }
0x5b: {  	_ =	shalt  }
0x5c: {  	_ =	shalt  }
0x5d: {  	_ =	shalt  }
0x5e: {  	_ =	shalt  }
0x5f: {  	_ =	shalt  }
0x60: {  	_ =	shalt  }
0x61: {  	_ =	shalt  }
0x62: {  	_ =	shalt  }
0x63: {  	_ =	shalt  }
0x64: {  	_ =	shalt  }
0x65: {  	_ =	shalt  }
0x66: {  	_ =	shalt  }
0x67: {  	_ =	shalt  }
0x68: {  	_ =	shalt  }
0x69: {  	_ =	shalt  }
0x6a: {  	_ =	shalt  }
0x6b: {  	_ =	shalt  }
0x6c: {  	_ =	shalt  }
0x6d: {  	_ =	shalt  }
0x6e: {  	_ =	shalt  }
0x6f: {  	_ =	shalt  }
0x70: {  	_ =	shalt  }
0x71: {  	_ =	shalt  }
0x72: {  	_ =	shalt  }
0x73: {  	_ =	shalt  }
0x74: {  	_ =	shalt  }
0x75: {  	_ =	shalt  }
0x76: {  	_ =	shalt  }
0x77: {  	_ =	shalt  }
0x78: {  	_ =	shalt  }
0x79: {  	_ =	shalt  }
0x7a: {  	_ =	shalt  }
0x7b: {  	_ =	shalt  }
0x7c: {  	_ =	shalt  }
0x7d: {  	_ =	shalt  }
0x7e: {  	_ =	shalt  }
0x7f: {  	_ =	shalt  }
0x80: {  	_ =	shalt  }
0x81: {  	_ =	shalt  }
0x82: {  	_ =	shalt  }
0x83: {  	_ =	shalt  }
0x84: {  	_ =	shalt  }
0x85: {  	_ =	shalt  }
0x86: {  	_ =	shalt  }
0x87: {  	_ =	shalt  }
.Lfunc_end0:
.L_simem_size_0:
called_computation_lowered:
.L_overlay_start_0:
0x88: {  	s2 =	sld [smem:$0x3FD9]  }
0x89: {  	s3 =	sld [smem:$0x3FFE];
	_ =	sdelay $0x1  }
0x8a: {  	s1 =	srdreg.scid  }
0x8b: {  	s0 =	sand.u32 $0x1, s1  }
0x8c: {  	s17 =	sshll.u32 s0, $0xA;
	s2 =	sadd.s32 s3, s2  }
0x8d: {  	s2 =	sadd.s32 s2, s17  }
0x8e: {  	[smem:$0x3FC2] =	sst s2  }
0x8f: {  	_ = 	snop  }
0x90: {  	s2 =	sld [smem:$0x3FD0];
	(tm) =	ssettm $0x1  }
0x91: {  	s18 =	sld [smem:$0x3FFB];
	_ =	sdelay $0x3  }
0x92: {  	_ =	strace s18  }
0x93: {  	s3 =	sld [smem:$0x3FFC];
	_ =	sdelay $0x3  }
0x94: {  	_ =	strace s3  }
0x95: {  	s3 =	sld [smem:$0x3FFD];
	_ =	sdelay $0x3  }
0x96: {  	_ =	strace s3  }
0x97: {  	_ =	strace $0x8FFFFFFF  }
0x98: {  	s19 =	sld [smem:$0x3FDB];
	_ =	sdelay $0x1  }
0x99: {  	s4 =	simm.s32 $_scs_section_size  }
0x9a: {  	s5 =	simm.s32 $_size__tile_overlayer_lowered;
	s6 =	simm.s32 $_tile_overlayer_lowered  }
0x9b: {  	s22 =	simm.s32 $0x1BFF;
	s21 =	sshll.u32 s6, $0x1;
	s3 =	sadd.s32 s4, s19  }
0x9c: {  	s7 =	simm.s32 $0x0;
	s20 =	sshll.u32 s5, $0x1;
	s5 =	sadd.s32 s21, s3  }
0x9d: {  	[timem:s7], [sflag:s22] =	dma.local [hbm:s5], s20  }
0x9e: {  	_ =	swait.ge [sflag:s22], s20  }
0x9f: {  	s4 =	ssub.s32 $0x0, s20;
	[sflag:s22] =	ssyncset.done $0x0  }
0xa0: {  	[sflag:s22] =	ssyncadd.s32 s4;
	_ =	sdelay $0x1  }
0xa1: {  	s23 =	simm.s32 $0x1B8B  }
0xa2: {  	_ =	swait.ge [sflag:s23], $0x1  }
0xa3: {  	[sflag:s23] =	ssyncset.done $0x0  }
0xa4: {  	s25 =	simm.s32 $0x1B8E;
	s24 =	sld [smem:$0x3FFE];
	[sflag:s23] =	ssyncadd.s32 $0xFFFFFFFF  }
0xa5: {  	s26 =	simm.s32 $execute0_lowered;
	[smem:$0x3FD2] =	sst s25  }
0xa6: {  	s5 =	sshll.u32 s26, $0x1;
	_ =	strace $0x80000046;
	[dreg:$0x1] =	wrdreg $0xFFFFFFFF  }
0xa7: {  	s28 =	simm.s32 $_size_execute0_lowered;
	s3 =	sadd.s32 s3, s5;
	[dreg:$0x0] =	wrdreg $0x0  }
0xa8: {  	s5 =	sshll.u32 s28, $0x1;
	[dreg:$0x2] =	wrdreg s3  }
0xa9: {  	[dreg:$0x3] =	wrdreg s5  }
0xaa: {  	[dreg:$0x4] =	wrdreg $0xC0  }
0xab: {  	_ =	task [dreg:s7], $0x5FFFF  }
0xac: {  	[dreg:$0x1] =	wrdreg $0xFFFFFFFF  }
0xad: {  	[dreg:$0x0] =	wrdreg $0x60  }
0xae: {  	[dreg:$0x2] =	wrdreg s24  }
0xaf: {  	[dreg:$0x3] =	wrdreg s2  }
0xb0: {  	[dreg:$0x4] =	wrdreg $0x68000  }
0xb1: {  	[dreg:$0x5] =	wrdreg $0x9  }
0xb2: {  	_ =	task.clear_ibuf [dreg:s7], $0x6FFFF;
	_ =	strace $0x90000046  }
0xb3: {  	s29 =	simm.s32 $0x9;
	_ =	strace $0x80000048  }
0xb4: {  	_ =	swait.ge [sflag:s29], $0x1  }
0xb5: {  	[sflag:s29] =	ssyncadd.s32 $0xFFFFFFFF  }
0xb6: {  	_ =	strace $0x90000048  }
0xb7: {  	_ =	sfence  }
0xb8: {  	s30 =	sld [smem:$0x0];
	_ =	sdelay $0x2  }
0xb9: {  	s31 =	sshll.u32 s1, $0xD;
	s1 =	sshrl.u32 s1, $0x2  }
0xba: {  	s3 =	sand.u32 $0x4000, s31;
	s1 =	sadd.s32 s1, s30  }
0xbb: {  	s0 =	sor.u32 s3, s0;
	s1 =	sshll.u32 s1, $0x11  }
0xbc: {  	s0 =	sor.u32 s1, s0  }
0xbd: {  	s0 =	sadd.s32 $0x8F2B, s0  }
0xbe: {  	[sflag:s0] =	ssyncadd.remote.s32 $0x1  }
0xbf: {  	_ =	sfence.sel $0xFFFF  }
0xc0: {  	[dreg:$0x0] =	wrdreg $0xFFFFFFFF;
	(pc) =	sbr.abs _section_cstart, $3  }
0xc1: {  	[dreg:$0x1] =	wrdreg $0xFFFFFFFF  }
0xc2: {  	_ =	task.clear_ibuf [dreg:s7], $0x2FFFF;
	_ =	strace $0x9FFFFFFF  }
0xc3: {  	(tm) =	ssettm $0x7FFFFFFF  }
tec
execute0_lowered:
.L_overlay_start_1:
0x0: {  	(tag) =	ssettag $0x1  }
0x1: {  	s6 =	rddreg [dreg:$0x0]  }
0x2: {  	s1 =	srdreg.scid;
	s2 =	rddreg [dreg:$0x1]  }
0x3: {  	s0 =	stileid.u32;
	s3 =	rddreg [dreg:$0x2];
	s4 =	simm.s32 $0x0  }
0x4: {  	s13 =	simm.s32 $0x80;
	s14 =	simm.s32 $0x0;
	s9 =	smul.u32 $0x14000, s0  }
0x5: {  	s7 =	sand.u32 $0x1, s1;
	s28 =	sshll.u32 s0, $0x1;
	s29 =	smul.u32 $0x50000, s0  }
0x6: {  	[smem:$0x7FF] =	sst s4;
	s1 =	sor.u32 s7, s28;
	s8 =	smul.u32 $0x140000, s7  }
0x7: {  	s31 =	sshll.u32 s0, $0x6;
	s7 =	ssub.s32 $0x2, s7;
	s5 =	smul.u32 $0x500, s1  }
0x8: {  	s1 =	rddreg [dreg:$0x3];
	_ =	strace $0x80000047;
	s30 =	sshrl.u32 s7, $0x1  }
0x9: {  	s8 =	sadd.s32 s9, s8;
	s9 =	sshrl.u32 s29, $0x2;
	s11 =	ssub.s32 s7, s30  }
0xa: {  	s10 =	sadd.s32 s5, s6;
	s5 =	sadd.s32 $0xC400, s6;
	s8 =	sshrl.u32 s8, $0x3  }
0xb: {  	s12 =	sadd.s32 s9, s3;
	s9 =	simm.s32 $0x1;
	s8 =	sadd.s32 s8, s6  }
0xc: {  	s6 =	sadd.s32 $0x2400, s10;
	s10 =	simm.s32 $0x2800;
	s12 =	sshrl.u32 s12, $0x3  }
0xd: {  	s7 =	sadd.s32 $0xCC00, s8;
	s8 =	smax.u32 s11, $0x1;
	s11 =	sor.u32 $0x1C01, s31  }
.LBB2_1:
0xe: {  	[tilespmem:s4], [sflag:$0x1] =	stream.linear.gather [hbm4b:s6+s4], $0x2800, $0x38;
	[tilespmem:$0x9000] =	vst v63  }
0xf: {  	_ =	swait.ge [sflag:s9], $0x2800  }
0x10: {  	[sflag:s9] =	ssyncset.done $0x0  }
0x11: {  	[sflag:s9] =	ssyncadd.s32 $0xFFFFD800  }
0x12: {  	[tilespmem:s10], [sflag:$0x1] =	stream.linear.gather [hbm4b:s5+s4], $0x4000, $0x38;
	[tilespmem:$0x9000] =	vst v63  }
0x13: {  	_ =	swait.ge [sflag:s9], $0x4000  }
0x14: {  	[sflag:s9] =	ssyncset.done $0x0  }
0x15: {  	[sflag:s9] =	ssyncadd.s32 $0xFFFFC000  }
0x16: {  	[spmem:s12], [sflag:s11] =	dma.local [hbm:s2], $0x2800  }
0x17: {  	_ =	swait.ge [sflag:s9], $0x2800  }
0x18: {  	[sflag:s9] =	ssyncset.done $0x0  }
0x19: {  	[sflag:s9] =	ssyncadd.s32 $0xFFFFD800  }
0x1a: {  	s15 =	simm.s32 $0x0;
	[bflag:$0x0] =	sbarrier.arrive $0xFFFF  }
0x1b: {  	[spmem:s3] =	stream.indirect.scatter.add.f32 [tilespmem:s10], [sflag:$0x1], $0x10, s15, s13, $0xb8;
	[tilespmem:$0x9000] =	vst v63  }
0x1c: {  	_ =	swait.ge [sflag:s9], $0x800  }
0x1d: {  	s15 =	simm.s32 $0x200;
	[sflag:s9] =	ssyncset.done $0x0  }
.LBB2_2:
0x1e: {  	s16 =	sshra.s32 s15, $0x2;
	[sflag:s9] =	ssyncadd.s32 $0xFFFFF800;
	p0 =	sne.s32 s15, $0x9E00  }
0x1f: {  	[spmem:s3] =	stream.indirect.scatter.add.f32 [tilespmem:s10], [sflag:$0x1], $0x10, s16, s13, $0xb8;
	[tilespmem:$0x9000] =	vst v63  }
.Ltmp0:
0x20: {  	_ = 	snop;
	(pc) =	sbr.rel @p0 .LBB2_2-.Ltmp0, $4  }
0x21: {  	_ = 	snop  }
0x22: {  	s15 =	sadd.s32 $0x200, s15  }
0x23: {  	_ =	swait.ge [sflag:s9], $0x800  }
0x24: {  	[sflag:s9] =	ssyncset.done $0x0  }
0x25: {  	s14 =	sadd.s32 $0x1, s14  }
0x26: {  	[sflag:s9] =	ssyncadd.s32 $0xFFFFF800;
	p0 =	sne.s32 s14, s8  }
.Ltmp1:
0x27: {  	[bflag:$0x0] =	sbarrier.arrive $0xFFFF;
	(pc) =	sbr.rel @p0 .LBB2_1-.Ltmp1, $4  }
0x28: {  	[hbm:s7], [sflag:s11] =	dma.local [spmem:s12], $0x2800  }
0x29: {  	_ =	swait.ge [sflag:s9], $0x2800  }
0x2a: {  	[sflag:s9] =	ssyncset.done $0x0  }
0x2b: {  	[sflag:s9] =	ssyncadd.s32 $0xFFFFD800  }
0x2c: {  	_ =	sfence.sel $0x180000  }
0x2d: {  	[bflag:$0x0] =	sbarrier.arrive $0xFFFF  }
0x2e: {  	p0 =	sne.s32 s0, $0x0;
	_ =	strace $0x90000047  }
0x2f: {  	s0 =	sadd.s32 @!p0 $0x100000, s1;
	[bflag:$0x2] =	sbarrier.arrive $0xFFFF  }
0x30: {  	[sflag:s0] =	ssyncadd.tile.s32 @!p0 $0x1;
	_ =	shalt  }
.Lfunc_end2:
_tile_overlayer_lowered:
.L_overlay_start_2:
0x31: {  	(tag) =	ssettag $0x2  }
0x32: {  	s0 =	rddreg [dreg:$0x0];
	s2 =	stileid.u32  }
0x33: {  	s1 =	rddreg [dreg:$0x1];
	p0 =	sne.s32 s2, $0x0  }
0x34: {  	s3 =	rddreg [dreg:$0x2];
	[bflag:$0x3] =	sbarrier.arrive $0xFFFF;
	s2 =	simm.s32 @!p0 $0x1C01  }
0x35: {  	[timem:s3], [sflag:s2] =	dma.local @!p0 [hbm:s0], s1  }
0x36: {  	s0 =	simm.s32 @!p0 $0x1  }
0x37: {  	_ =	swait.ge @!p0 [sflag:s0], s1  }
0x38: {  	s1 =	ssub.s32 @!p0 $0x0, s1;
	[sflag:s0] =	ssyncset.done @!p0 $0x0  }
0x39: {  	[sflag:s0] =	ssyncadd.s32 @!p0 s1  }
0x3a: {  	[bflag:$0x3] =	sbarrier.arrive $0xFFFF  }
0x3b: {  	_ =	shalt  }

</sc_bundles>
